<compile_context>
chip_gen: v7x
topology: tpu7x:2x2x1
jax: 0.10.2.dev20260603
libtpu: 0.0.44.dev20260713+nightly
codegen_flags: <defaults>
</compile_context>

<pallas_src>
import functools

import jax
import jax.numpy as jnp
from jax import lax
from jax.experimental import pallas as pl
from jax.experimental.pallas import tpu as pltpu
from jax.experimental.pallas import tpu_sc as plsc

_N = 10000
_NPAD = 10240
_E = 320000
_EPAD = 327680
_D = 128
_NC, _NS = 2, 16
_CH = 128
_TILE_EDGES = _EPAD // (_NC * _NS)
_NCHUNK = _TILE_EDGES // _CH
_STAGES = 2
_SCHUNK = _NCHUNK // _STAGES
_NBUF = 2
_ITERS = _SCHUNK // _NBUF
_ROWS_PT = _NPAD // _NS

_mesh = plsc.VectorSubcoreMesh(
    core_axis_name="c", subcore_axis_name="s", num_cores=_NC, num_subcores=_NS
)

_DEG_CHUNK = 128
_DEG_NCHUNK = _TILE_EDGES // _DEG_CHUNK


@functools.partial(
    pl.kernel,
    out_type=jax.ShapeDtypeStruct((_NC, _NPAD, 16), jnp.float32),
    mesh=_mesh,
    scratch_types=[
        pltpu.VMEM((_DEG_NCHUNK, _DEG_CHUNK), jnp.int32),
        pltpu.VMEM((_DEG_CHUNK, 16), jnp.float32),
        pltpu.VMEM_SHARED((_NPAD, 16), jnp.float32),
    ],
)
def _deg_kernel(dst_hbm, ones_hbm, zeros_hbm, deg_hbm, dst_v, ones_v, deg_sh):
    c = lax.axis_index("c")
    s = lax.axis_index("s")
    tid = c * _NS + s
    pltpu.sync_copy(dst_hbm.at[tid], dst_v)
    pltpu.sync_copy(ones_hbm, ones_v)
    pltpu.sync_copy(
        zeros_hbm.at[pl.ds(s * _ROWS_PT, _ROWS_PT)],
        deg_sh.at[pl.ds(s * _ROWS_PT, _ROWS_PT)],
    )
    plsc.subcore_barrier()

    def body(j, carry):
        pltpu.sync_copy(ones_v, deg_sh.at[dst_v.at[j]], add=True)
        return carry

    lax.fori_loop(0, _DEG_NCHUNK, body, 0)
    plsc.subcore_barrier()
    pltpu.sync_copy(
        deg_sh.at[pl.ds(s * _ROWS_PT, _ROWS_PT)],
        deg_hbm.at[c, pl.ds(s * _ROWS_PT, _ROWS_PT)],
    )


@functools.partial(
    pl.kernel,
    out_type=jax.ShapeDtypeStruct((_NC, _NPAD, _D), jnp.float32),
    mesh=_mesh,
    scratch_types=[
        pltpu.VMEM((_SCHUNK, _CH), jnp.int32),
        pltpu.VMEM((_SCHUNK, _CH), jnp.int32),
        [pltpu.VMEM((_CH, _D), jnp.float32) for _ in range(_NBUF)],
        pltpu.VMEM_SHARED((_NPAD, _D), jnp.float32),
        [pltpu.SemaphoreType.DMA for _ in range(_NBUF)],
        [pltpu.SemaphoreType.DMA for _ in range(_NBUF)],
    ],
)
def _spmm_kernel(src_hbm, dst_hbm, g_hbm, zeros_hbm, out_hbm,
                 src_v, dst_v, rows, y_sh, gsems, ssems):
    c = lax.axis_index("c")
    s = lax.axis_index("s")
    tid = c * _NS + s
    pltpu.sync_copy(
        zeros_hbm.at[pl.ds(s * _ROWS_PT, _ROWS_PT)],
        y_sh.at[pl.ds(s * _ROWS_PT, _ROWS_PT)],
    )
    plsc.subcore_barrier()

    def body(i, carry):
        gathers = []
        for b in range(_NBUF):
            j = i * _NBUF + b
            gathers.append(
                pltpu.async_copy(g_hbm.at[src_v.at[j]], rows[b], gsems[b])
            )
        scatters = []
        for b in range(_NBUF):
            j = i * _NBUF + b
            gathers[b].wait()
            scatters.append(
                pltpu.async_copy(rows[b], y_sh.at[dst_v.at[j]], ssems[b], add=True)
            )
        for d in scatters:
            d.wait()
        return carry

    for stage in range(_STAGES):
        pltpu.sync_copy(src_hbm.at[tid, pl.ds(stage * _SCHUNK, _SCHUNK)], src_v)
        pltpu.sync_copy(dst_hbm.at[tid, pl.ds(stage * _SCHUNK, _SCHUNK)], dst_v)
        lax.fori_loop(0, _ITERS, body, 0)
    plsc.subcore_barrier()
    pltpu.sync_copy(
        y_sh.at[pl.ds(s * _ROWS_PT, _ROWS_PT)],
        out_hbm.at[c, pl.ds(s * _ROWS_PT, _ROWS_PT)],
    )


_BLK = 256


def _dis_of(deg_ref):
    deg = deg_ref[0, :, 0:1] + deg_ref[1, :, 0:1] + 1.0
    return lax.rsqrt(deg)


def _tc_a_body(x_ref, w_ref, deg_ref, o_ref):
    dis = _dis_of(deg_ref)
    o_ref[...] = jnp.dot(
        x_ref[...], w_ref[...], preferred_element_type=jnp.float32
    ) * dis


_tc_a = pl.pallas_call(
    _tc_a_body,
    grid=(_NPAD // _BLK,),
    in_specs=[
        pl.BlockSpec((_BLK, _D), lambda i: (i, 0)),
        pl.BlockSpec((_D, _D), lambda i: (0, 0)),
        pl.BlockSpec((_NC, _BLK, 16), lambda i: (0, i, 0)),
    ],
    out_specs=pl.BlockSpec((_BLK, _D), lambda i: (i, 0)),
    out_shape=jax.ShapeDtypeStruct((_NPAD, _D), jnp.float32),
)


def _tc_b_body(y_ref, g_ref, deg_ref, b_ref, w_ref, o_ref):
    dis = _dis_of(deg_ref)
    t = (y_ref[0] + y_ref[1] + g_ref[...]) * dis + b_ref[...]
    h = jnp.maximum(t, 0.0)
    o_ref[...] = jnp.dot(h, w_ref[...], preferred_element_type=jnp.float32) * dis


_tc_b = pl.pallas_call(
    _tc_b_body,
    grid=(_NPAD // _BLK,),
    in_specs=[
        pl.BlockSpec((_NC, _BLK, _D), lambda i: (0, i, 0)),
        pl.BlockSpec((_BLK, _D), lambda i: (i, 0)),
        pl.BlockSpec((_NC, _BLK, 16), lambda i: (0, i, 0)),
        pl.BlockSpec((1, _D), lambda i: (0, 0)),
        pl.BlockSpec((_D, _D), lambda i: (0, 0)),
    ],
    out_specs=pl.BlockSpec((_BLK, _D), lambda i: (i, 0)),
    out_shape=jax.ShapeDtypeStruct((_NPAD, _D), jnp.float32),
)


def _tc_c_body(y_ref, g_ref, deg_ref, b_ref, w_ref, bl_ref, o_ref):
    dis = _dis_of(deg_ref)
    t = (y_ref[0] + y_ref[1] + g_ref[...]) * dis + b_ref[...]
    h = jnp.maximum(t, 0.0)
    o_ref[...] = jnp.dot(
        h, w_ref[...], preferred_element_type=jnp.float32
    ) + bl_ref[...]


_tc_c = pl.pallas_call(
    _tc_c_body,
    grid=(_NPAD // _BLK,),
    in_specs=[
        pl.BlockSpec((_NC, _BLK, _D), lambda i: (0, i, 0)),
        pl.BlockSpec((_BLK, _D), lambda i: (i, 0)),
        pl.BlockSpec((_NC, _BLK, 16), lambda i: (0, i, 0)),
        pl.BlockSpec((1, _D), lambda i: (0, 0)),
        pl.BlockSpec((_D, _D), lambda i: (0, 0)),
        pl.BlockSpec((1, _D), lambda i: (0, 0)),
    ],
    out_specs=pl.BlockSpec((_BLK, _D), lambda i: (i, 0)),
    out_shape=jax.ShapeDtypeStruct((_NPAD, _D), jnp.float32),
)


@jax.jit
def _run(x, edge_index, W1, b1, W2, b2, Wl, bl):
    src = edge_index[0].astype(jnp.int32)
    dst = edge_index[1].astype(jnp.int32)
    pad = jnp.full((_EPAD - _E,), _N, jnp.int32)
    src_p = jnp.concatenate([src, pad])
    dst_p = jnp.concatenate([dst, pad])
    src3 = src_p.reshape(_NC * _NS, _NCHUNK, _CH)
    dst3 = dst_p.reshape(_NC * _NS, _NCHUNK, _CH)
    dst3d = dst_p.reshape(_NC * _NS, _DEG_NCHUNK, _DEG_CHUNK)
    x_pad = jnp.concatenate([x, jnp.zeros((_NPAD - _N, _D), x.dtype)])
    ones16 = jnp.ones((_DEG_CHUNK, 16), jnp.float32)
    zeros16 = jnp.zeros((_NPAD, 16), jnp.float32)
    zeros_d = jnp.zeros((_NPAD, _D), jnp.float32)

    deg = _deg_kernel(dst3d, ones16, zeros16)
    g1 = _tc_a(x_pad, W1, deg)
    y1 = _spmm_kernel(src3, dst3, g1, zeros_d)
    g2 = _tc_b(y1, g1, deg, b1.reshape(1, _D), W2)
    y2 = _spmm_kernel(src3, dst3, g2, zeros_d)
    out = _tc_c(y2, g2, deg, b2.reshape(1, _D), Wl, bl.reshape(1, _D))
    return out[:_N]


def kernel(x, edge_index, W1, b1, W2, b2, Wl, bl):
    return _run(x, edge_index, W1, b1, W2, b2, Wl, bl)

# --- scband reference (transcript-rebuilt; emitter-appended) ---
"""Pipeline reference for scband-gcn-40767829573880 (READ-ONLY COPY).

The authoritative reference and input builder live on the scoring server;
editing this copy changes nothing except your own understanding.
"""

import jax, jax.numpy as jnp
import numpy as np

N_NODES = 10000
DIM_IN = 128
DIM_H = 128
DIM_OUT = 128
N_EDGES = 320000


def gcn_conv(x, src, dst, W, b, n_nodes):
    # GCNConv: add self-loops, symmetric degree normalization, linear transform,
    # normalized message passing via scatter-add, then bias.
    loop = jnp.arange(n_nodes, dtype=src.dtype)
    src_sl = jnp.concatenate([src, loop])
    dst_sl = jnp.concatenate([dst, loop])
    ones = jnp.ones(src_sl.shape[0], dtype=x.dtype)
    deg = jax.ops.segment_sum(ones, dst_sl, num_segments=n_nodes)
    deg_inv_sqrt = jnp.where(deg > 0, jax.lax.rsqrt(deg), 0.0)
    norm = deg_inv_sqrt[src_sl] * deg_inv_sqrt[dst_sl]
    h = x @ W
    msg = h[src_sl] * norm[:, None]
    out = jax.ops.segment_sum(msg, dst_sl, num_segments=n_nodes)
    return out + b


def setup_inputs(seed: int = 0) -> dict:
    key = jax.random.key(seed)
    k_x, k_e, k_w1, k_b1, k_w2, k_b2, k_wl, k_bl = jax.random.split(key, 8)
    x = jax.random.normal(k_x, (N_NODES, DIM_IN), dtype=jnp.float32)
    edge_index = jax.random.randint(k_e, (2, N_EDGES), 0, N_NODES, dtype=jnp.int64 if jax.config.jax_enable_x64 else jnp.int32)
    s1 = 1.0 / np.sqrt(DIM_IN)
    s2 = 1.0 / np.sqrt(DIM_H)
    W1 = jax.random.uniform(k_w1, (DIM_IN, DIM_H), dtype=jnp.float32, minval=-s1, maxval=s1)
    b1 = jax.random.uniform(k_b1, (DIM_H,), dtype=jnp.float32, minval=-s1, maxval=s1)
    W2 = jax.random.uniform(k_w2, (DIM_H, DIM_H), dtype=jnp.float32, minval=-s2, maxval=s2)
    b2 = jax.random.uniform(k_b2, (DIM_H,), dtype=jnp.float32, minval=-s2, maxval=s2)
    Wl = jax.random.uniform(k_wl, (DIM_H, DIM_OUT), dtype=jnp.float32, minval=-s2, maxval=s2)
    bl = jax.random.uniform(k_bl, (DIM_OUT,), dtype=jnp.float32, minval=-s2, maxval=s2)
    return {"x": x, "edge_index": edge_index, "W1": W1, "b1": b1, "W2": W2, "b2": b2, "Wl": Wl, "bl": bl}


def reference(x, edge_index, W1, b1, W2, b2, Wl, bl):
    src = edge_index[0]
    dst = edge_index[1]
    n_nodes = x.shape[0]
    h = gcn_conv(x, src, dst, W1, b1, n_nodes)
    h = jax.nn.relu(h)
    h = gcn_conv(h, src, dst, W2, b2, n_nodes)
    h = jax.nn.relu(h)
    h = h @ Wl + bl
    return h

if __name__ == "__main__":
    import jax
    _d = setup_inputs()
    print(jax.jit(kernel)(*tuple(_d.values())))

</pallas_src>

<mosaic_0001>
#map = affine_map<(d0, d1) -> (0, 0, 0)>
#map1 = affine_map<(d0, d1) -> (0, 0)>
module attributes {stable_mosaic.version = 14 : i64} {
  func.func @_deg_kernel(%arg0: i32, %arg1: i32, %arg2: memref<32x80x128xi32, #tpu.memory_space<hbm>>, %arg3: memref<128x16xf32, #tpu.memory_space<hbm>>, %arg4: memref<10240x16xf32, #tpu.memory_space<hbm>>, %arg5: memref<2x10240x16xf32, #tpu.memory_space<hbm>>, %arg6: memref<80x128xi32, #tpu.memory_space<vmem>>, %arg7: memref<128x16xf32, #tpu.memory_space<vmem>>, %arg8: memref<10240x16xf32, #tpu.memory_space<vmem_shared>>) attributes {dimension_semantics = [#tpu.dimension_semantics<core_parallel>, #tpu.dimension_semantics<subcore_parallel>], iteration_bounds = array<i64: 2, 16>, scalar_prefetch = 0 : i64, scratch_operands = 3 : i64, tpu.core_type = #tpu.core_type<sc_vector_subcore>, window_params = [{transform_indices = #map}, {transform_indices = #map1}, {transform_indices = #map1}, {transform_indices = #map}]} {
    %mul3A = arith.constant 16 : i32
    %mul3A_0 = arith.muli %arg0, %mul3A : i32
    %add3A = arith.addi %mul3A_0, %arg1 : i32
    "tpu.region"() ({
      %run_scoped3A = tpu.sem_alloc : memref<!tpu.dma_semaphore, #tpu.memory_space<semaphore_mem>>
      %dma_start3A = arith.constant 0 : i32
      %dma_start3A_15 = arith.constant 0 : i32
      %dma_start3A_16 = tpu.memref_slice %arg2[%add3A, %dma_start3A, %dma_start3A_15] : memref<32x80x128xi32, #tpu.memory_space<hbm>> -> memref<1x80x128xi32, #tpu.memory_space<hbm>>
      %dma_start3A_17 = tpu.memref_squeeze %dma_start3A_16 : memref<1x80x128xi32, #tpu.memory_space<hbm>> -> memref<80x128xi32, #tpu.memory_space<hbm>>
      %dma_start3A_18 = arith.constant 0 : i32
      %dma_start3A_19 = arith.constant 0 : i32
      %dma_start3A_20 = tpu.memref_slice %arg2[%add3A, %dma_start3A_18, %dma_start3A_19] : memref<32x80x128xi32, #tpu.memory_space<hbm>> -> memref<1x80x128xi32, #tpu.memory_space<hbm>>
      %dma_start3A_21 = tpu.memref_squeeze %dma_start3A_20 : memref<1x80x128xi32, #tpu.memory_space<hbm>> -> memref<80x128xi32, #tpu.memory_space<hbm>>
      tpu.enqueue_dma source(%dma_start3A_21 : memref<80x128xi32, #tpu.memory_space<hbm>>) target(%arg6 : memref<80x128xi32, #tpu.memory_space<vmem>>) target_semaphore(%run_scoped3A : memref<!tpu.dma_semaphore, #tpu.memory_space<semaphore_mem>>)
      %dma_wait3A = arith.constant 0 : i32
      %dma_wait3A_22 = arith.constant 0 : i32
      %dma_wait3A_23 = tpu.memref_slice %arg2[%add3A, %dma_wait3A, %dma_wait3A_22] : memref<32x80x128xi32, #tpu.memory_space<hbm>> -> memref<1x80x128xi32, #tpu.memory_space<hbm>>
      %dma_wait3A_24 = tpu.memref_squeeze %dma_wait3A_23 : memref<1x80x128xi32, #tpu.memory_space<hbm>> -> memref<80x128xi32, #tpu.memory_space<hbm>>
      %dma_wait3A_25 = arith.constant 0 : i32
      %dma_wait3A_26 = arith.constant 0 : i32
      %dma_wait3A_27 = tpu.memref_slice %arg2[%add3A, %dma_wait3A_25, %dma_wait3A_26] : memref<32x80x128xi32, #tpu.memory_space<hbm>> -> memref<1x80x128xi32, #tpu.memory_space<hbm>>
      %dma_wait3A_28 = tpu.memref_squeeze %dma_wait3A_27 : memref<1x80x128xi32, #tpu.memory_space<hbm>> -> memref<80x128xi32, #tpu.memory_space<hbm>>
      tpu.wait_dma2 semaphore(%run_scoped3A : memref<!tpu.dma_semaphore, #tpu.memory_space<semaphore_mem>>) src(%dma_wait3A_28 : memref<80x128xi32, #tpu.memory_space<hbm>>) dst(%arg6 : memref<80x128xi32, #tpu.memory_space<vmem>>)
      tpu.yield
    }) : () -> ()
    "tpu.region"() ({
      %run_scoped3A = tpu.sem_alloc : memref<!tpu.dma_semaphore, #tpu.memory_space<semaphore_mem>>
      tpu.enqueue_dma source(%arg3 : memref<128x16xf32, #tpu.memory_space<hbm>>) target(%arg7 : memref<128x16xf32, #tpu.memory_space<vmem>>) target_semaphore(%run_scoped3A : memref<!tpu.dma_semaphore, #tpu.memory_space<semaphore_mem>>)
      tpu.wait_dma2 semaphore(%run_scoped3A : memref<!tpu.dma_semaphore, #tpu.memory_space<semaphore_mem>>) src(%arg3 : memref<128x16xf32, #tpu.memory_space<hbm>>) dst(%arg7 : memref<128x16xf32, #tpu.memory_space<vmem>>)
      tpu.yield
    }) : () -> ()
    %mul3A_1 = arith.constant 640 : i32
    %mul3A_2 = arith.muli %arg1, %mul3A_1 : i32
    %mul3A_3 = arith.constant 640 : i32
    %mul3A_4 = arith.muli %arg1, %mul3A_3 : i32
    "tpu.region"() ({
      %run_scoped3A = tpu.sem_alloc : memref<!tpu.dma_semaphore, #tpu.memory_space<semaphore_mem>>
      %dma_start3A = arith.constant 0 : i32
      %dma_start3A_15 = tpu.memref_slice %arg8[%mul3A_4, %dma_start3A] : memref<10240x16xf32, #tpu.memory_space<vmem_shared>> -> memref<640x16xf32, #tpu.memory_space<vmem_shared>>
      %dma_start3A_16 = arith.constant 0 : i32
      %dma_start3A_17 = tpu.memref_slice %arg4[%mul3A_2, %dma_start3A_16] : memref<10240x16xf32, #tpu.memory_space<hbm>> -> memref<640x16xf32, #tpu.memory_space<hbm>>
      tpu.enqueue_dma source(%dma_start3A_17 : memref<640x16xf32, #tpu.memory_space<hbm>>) target(%dma_start3A_15 : memref<640x16xf32, #tpu.memory_space<vmem_shared>>) target_semaphore(%run_scoped3A : memref<!tpu.dma_semaphore, #tpu.memory_space<semaphore_mem>>)
      %dma_wait3A = arith.constant 0 : i32
      %dma_wait3A_18 = tpu.memref_slice %arg8[%mul3A_4, %dma_wait3A] : memref<10240x16xf32, #tpu.memory_space<vmem_shared>> -> memref<640x16xf32, #tpu.memory_space<vmem_shared>>
      %dma_wait3A_19 = arith.constant 0 : i32
      %dma_wait3A_20 = tpu.memref_slice %arg4[%mul3A_2, %dma_wait3A_19] : memref<10240x16xf32, #tpu.memory_space<hbm>> -> memref<640x16xf32, #tpu.memory_space<hbm>>
      tpu.wait_dma2 semaphore(%run_scoped3A : memref<!tpu.dma_semaphore, #tpu.memory_space<semaphore_mem>>) src(%dma_wait3A_20 : memref<640x16xf32, #tpu.memory_space<hbm>>) dst(%dma_wait3A_18 : memref<640x16xf32, #tpu.memory_space<vmem_shared>>)
      tpu.yield
    }) : () -> ()
    %barrier3A = arith.constant 0 : index
    tpu.barrier barrier_id(%barrier3A)
    %scan3A = arith.constant 0 : i32
    %scan3A_5 = arith.constant 0 : i32
    %scan3A_6 = arith.constant 80 : i32
    %scan3A_7 = arith.addi %scan3A_5, %scan3A_6 : i32
    %scan3A_8 = arith.constant 1 : i32
    scf.for %scan3A_15 = %scan3A_5 to %scan3A_7 step %scan3A_8  : i32 {
      "tpu.region"() ({
        %run_scoped3A = tpu.sem_alloc : memref<!tpu.dma_semaphore, #tpu.memory_space<semaphore_mem>>
        %dma_start3A = arith.constant 0 : i32
        %dma_start3A_16 = tpu.memref_slice %arg6[%scan3A_15, %dma_start3A] : memref<80x128xi32, #tpu.memory_space<vmem>> -> memref<1x128xi32, #tpu.memory_space<vmem>>
        %dma_start3A_17 = tpu.memref_squeeze %dma_start3A_16 : memref<1x128xi32, #tpu.memory_space<vmem>> -> memref<128xi32, #tpu.memory_space<vmem>>
        %dma_start3A_18 = arith.constant 0 : i32
        %dma_start3A_19 = arith.constant 0 : i32
        %dma_start3A_20 = tpu.memref_slice %arg8[%dma_start3A_18, %dma_start3A_19] : memref<10240x16xf32, #tpu.memory_space<vmem_shared>> -> memref<10240x16xf32, #tpu.memory_space<vmem_shared>>
        tpu.enqueue_indirect_dma source(%arg7 : memref<128x16xf32, #tpu.memory_space<vmem>>) target(%dma_start3A_20 : memref<10240x16xf32, #tpu.memory_space<vmem_shared>>) offsets(%dma_start3A_17 : memref<128xi32, #tpu.memory_space<vmem>>) semaphore(%run_scoped3A : memref<!tpu.dma_semaphore, #tpu.memory_space<semaphore_mem>>) {add = true}
        %dma_wait3A = arith.constant 0 : i32
        %dma_wait3A_21 = tpu.memref_slice %arg6[%scan3A_15, %dma_wait3A] : memref<80x128xi32, #tpu.memory_space<vmem>> -> memref<1x128xi32, #tpu.memory_space<vmem>>
        %dma_wait3A_22 = tpu.memref_squeeze %dma_wait3A_21 : memref<1x128xi32, #tpu.memory_space<vmem>> -> memref<128xi32, #tpu.memory_space<vmem>>
        %dma_wait3A_23 = arith.constant 0 : i32
        %dma_wait3A_24 = arith.constant 0 : i32
        %dma_wait3A_25 = tpu.memref_slice %arg8[%dma_wait3A_23, %dma_wait3A_24] : memref<10240x16xf32, #tpu.memory_space<vmem_shared>> -> memref<10240x16xf32, #tpu.memory_space<vmem_shared>>
        tpu.wait_indirect_dma semaphore(%run_scoped3A : memref<!tpu.dma_semaphore, #tpu.memory_space<semaphore_mem>>) src(%arg7 : memref<128x16xf32, #tpu.memory_space<vmem>>) dst(%dma_wait3A_25 : memref<10240x16xf32, #tpu.memory_space<vmem_shared>>)
        tpu.yield
      }) : () -> ()
    }
    %scan3A_9 = arith.constant 80 : i32
    %barrier3A_10 = arith.constant 0 : index
    tpu.barrier barrier_id(%barrier3A_10)
    %mul3A_11 = arith.constant 640 : i32
    %mul3A_12 = arith.muli %arg1, %mul3A_11 : i32
    %mul3A_13 = arith.constant 640 : i32
    %mul3A_14 = arith.muli %arg1, %mul3A_13 : i32
    "tpu.region"() ({
      %run_scoped3A = tpu.sem_alloc : memref<!tpu.dma_semaphore, #tpu.memory_space<semaphore_mem>>
      %dma_start3A = arith.constant 0 : i32
      %dma_start3A_15 = tpu.memref_slice %arg5[%arg0, %mul3A_14, %dma_start3A] : memref<2x10240x16xf32, #tpu.memory_space<hbm>> -> memref<1x640x16xf32, #tpu.memory_space<hbm>>
      %dma_start3A_16 = tpu.memref_squeeze %dma_start3A_15 : memref<1x640x16xf32, #tpu.memory_space<hbm>> -> memref<640x16xf32, #tpu.memory_space<hbm>>
      %dma_start3A_17 = arith.constant 0 : i32
      %dma_start3A_18 = tpu.memref_slice %arg8[%mul3A_12, %dma_start3A_17] : memref<10240x16xf32, #tpu.memory_space<vmem_shared>> -> memref<640x16xf32, #tpu.memory_space<vmem_shared>>
      tpu.enqueue_dma source(%dma_start3A_18 : memref<640x16xf32, #tpu.memory_space<vmem_shared>>) target(%dma_start3A_16 : memref<640x16xf32, #tpu.memory_space<hbm>>) target_semaphore(%run_scoped3A : memref<!tpu.dma_semaphore, #tpu.memory_space<semaphore_mem>>)
      %dma_wait3A = arith.constant 0 : i32
      %dma_wait3A_19 = tpu.memref_slice %arg5[%arg0, %mul3A_14, %dma_wait3A] : memref<2x10240x16xf32, #tpu.memory_space<hbm>> -> memref<1x640x16xf32, #tpu.memory_space<hbm>>
      %dma_wait3A_20 = tpu.memref_squeeze %dma_wait3A_19 : memref<1x640x16xf32, #tpu.memory_space<hbm>> -> memref<640x16xf32, #tpu.memory_space<hbm>>
      %dma_wait3A_21 = arith.constant 0 : i32
      %dma_wait3A_22 = tpu.memref_slice %arg8[%mul3A_12, %dma_wait3A_21] : memref<10240x16xf32, #tpu.memory_space<vmem_shared>> -> memref<640x16xf32, #tpu.memory_space<vmem_shared>>
      tpu.wait_dma2 semaphore(%run_scoped3A : memref<!tpu.dma_semaphore, #tpu.memory_space<semaphore_mem>>) src(%dma_wait3A_22 : memref<640x16xf32, #tpu.memory_space<vmem_shared>>) dst(%dma_wait3A_20 : memref<640x16xf32, #tpu.memory_space<hbm>>)
      tpu.yield
    }) : () -> ()
    return
  }
}

#map = affine_map<(d0, d1) -> (0, 0, 0)>
#map1 = affine_map<(d0, d1) -> (0, 0)>
module attributes {stable_mosaic.version = 14 : i64} {
  func.func @_spmm_kernel(%arg0: i32, %arg1: i32, %arg2: memref<32x80x128xi32, #tpu.memory_space<hbm>>, %arg3: memref<32x80x128xi32, #tpu.memory_space<hbm>>, %arg4: memref<10240x128xf32, #tpu.memory_space<hbm>>, %arg5: memref<10240x128xf32, #tpu.memory_space<hbm>>, %arg6: memref<2x10240x128xf32, #tpu.memory_space<hbm>>, %arg7: memref<40x128xi32, #tpu.memory_space<vmem>>, %arg8: memref<40x128xi32, #tpu.memory_space<vmem>>, %arg9: memref<128x128xf32, #tpu.memory_space<vmem>>, %arg10: memref<128x128xf32, #tpu.memory_space<vmem>>, %arg11: memref<10240x128xf32, #tpu.memory_space<vmem_shared>>, %arg12: memref<!tpu.dma_semaphore, #tpu.memory_space<semaphore_mem>>, %arg13: memref<!tpu.dma_semaphore, #tpu.memory_space<semaphore_mem>>, %arg14: memref<!tpu.dma_semaphore, #tpu.memory_space<semaphore_mem>>, %arg15: memref<!tpu.dma_semaphore, #tpu.memory_space<semaphore_mem>>) attributes {dimension_semantics = [#tpu.dimension_semantics<core_parallel>, #tpu.dimension_semantics<subcore_parallel>], iteration_bounds = array<i64: 2, 16>, scalar_prefetch = 0 : i64, scratch_operands = 9 : i64, tpu.core_type = #tpu.core_type<sc_vector_subcore>, window_params = [{transform_indices = #map}, {transform_indices = #map}, {transform_indices = #map1}, {transform_indices = #map1}, {transform_indices = #map}]} {
    %mul3A = arith.constant 16 : i32
    %mul3A_0 = arith.muli %arg0, %mul3A : i32
    %add3A = arith.addi %mul3A_0, %arg1 : i32
    %mul3A_1 = arith.constant 640 : i32
    %mul3A_2 = arith.muli %arg1, %mul3A_1 : i32
    %mul3A_3 = arith.constant 640 : i32
    %mul3A_4 = arith.muli %arg1, %mul3A_3 : i32
    "tpu.region"() ({
      %run_scoped3A = tpu.sem_alloc : memref<!tpu.dma_semaphore, #tpu.memory_space<semaphore_mem>>
      %dma_start3A = arith.constant 0 : i32
      %dma_start3A_21 = tpu.memref_slice %arg11[%mul3A_4, %dma_start3A] : memref<10240x128xf32, #tpu.memory_space<vmem_shared>> -> memref<640x128xf32, #tpu.memory_space<vmem_shared>>
      %dma_start3A_22 = arith.constant 0 : i32
      %dma_start3A_23 = tpu.memref_slice %arg5[%mul3A_2, %dma_start3A_22] : memref<10240x128xf32, #tpu.memory_space<hbm>> -> memref<640x128xf32, #tpu.memory_space<hbm>>
      tpu.enqueue_dma source(%dma_start3A_23 : memref<640x128xf32, #tpu.memory_space<hbm>>) target(%dma_start3A_21 : memref<640x128xf32, #tpu.memory_space<vmem_shared>>) target_semaphore(%run_scoped3A : memref<!tpu.dma_semaphore, #tpu.memory_space<semaphore_mem>>)
      %dma_wait3A = arith.constant 0 : i32
      %dma_wait3A_24 = tpu.memref_slice %arg11[%mul3A_4, %dma_wait3A] : memref<10240x128xf32, #tpu.memory_space<vmem_shared>> -> memref<640x128xf32, #tpu.memory_space<vmem_shared>>
      %dma_wait3A_25 = arith.constant 0 : i32
      %dma_wait3A_26 = tpu.memref_slice %arg5[%mul3A_2, %dma_wait3A_25] : memref<10240x128xf32, #tpu.memory_space<hbm>> -> memref<640x128xf32, #tpu.memory_space<hbm>>
      tpu.wait_dma2 semaphore(%run_scoped3A : memref<!tpu.dma_semaphore, #tpu.memory_space<semaphore_mem>>) src(%dma_wait3A_26 : memref<640x128xf32, #tpu.memory_space<hbm>>) dst(%dma_wait3A_24 : memref<640x128xf32, #tpu.memory_space<vmem_shared>>)
      tpu.yield
    }) : () -> ()
    %barrier3A = arith.constant 0 : index
    tpu.barrier barrier_id(%barrier3A)
    "tpu.region"() ({
      %run_scoped3A = tpu.sem_alloc : memref<!tpu.dma_semaphore, #tpu.memory_space<semaphore_mem>>
      %dma_start3A = arith.constant 0 : i32
      %dma_start3A_21 = arith.constant 0 : i32
      %dma_start3A_22 = tpu.memref_slice %arg2[%add3A, %dma_start3A, %dma_start3A_21] : memref<32x80x128xi32, #tpu.memory_space<hbm>> -> memref<1x40x128xi32, #tpu.memory_space<hbm>>
      %dma_start3A_23 = tpu.memref_squeeze %dma_start3A_22 : memref<1x40x128xi32, #tpu.memory_space<hbm>> -> memref<40x128xi32, #tpu.memory_space<hbm>>
      %dma_start3A_24 = arith.constant 0 : i32
      %dma_start3A_25 = arith.constant 0 : i32
      %dma_start3A_26 = tpu.memref_slice %arg2[%add3A, %dma_start3A_24, %dma_start3A_25] : memref<32x80x128xi32, #tpu.memory_space<hbm>> -> memref<1x40x128xi32, #tpu.memory_space<hbm>>
      %dma_start3A_27 = tpu.memref_squeeze %dma_start3A_26 : memref<1x40x128xi32, #tpu.memory_space<hbm>> -> memref<40x128xi32, #tpu.memory_space<hbm>>
      tpu.enqueue_dma source(%dma_start3A_27 : memref<40x128xi32, #tpu.memory_space<hbm>>) target(%arg7 : memref<40x128xi32, #tpu.memory_space<vmem>>) target_semaphore(%run_scoped3A : memref<!tpu.dma_semaphore, #tpu.memory_space<semaphore_mem>>)
      %dma_wait3A = arith.constant 0 : i32
      %dma_wait3A_28 = arith.constant 0 : i32
      %dma_wait3A_29 = tpu.memref_slice %arg2[%add3A, %dma_wait3A, %dma_wait3A_28] : memref<32x80x128xi32, #tpu.memory_space<hbm>> -> memref<1x40x128xi32, #tpu.memory_space<hbm>>
      %dma_wait3A_30 = tpu.memref_squeeze %dma_wait3A_29 : memref<1x40x128xi32, #tpu.memory_space<hbm>> -> memref<40x128xi32, #tpu.memory_space<hbm>>
      %dma_wait3A_31 = arith.constant 0 : i32
      %dma_wait3A_32 = arith.constant 0 : i32
      %dma_wait3A_33 = tpu.memref_slice %arg2[%add3A, %dma_wait3A_31, %dma_wait3A_32] : memref<32x80x128xi32, #tpu.memory_space<hbm>> -> memref<1x40x128xi32, #tpu.memory_space<hbm>>
      %dma_wait3A_34 = tpu.memref_squeeze %dma_wait3A_33 : memref<1x40x128xi32, #tpu.memory_space<hbm>> -> memref<40x128xi32, #tpu.memory_space<hbm>>
      tpu.wait_dma2 semaphore(%run_scoped3A : memref<!tpu.dma_semaphore, #tpu.memory_space<semaphore_mem>>) src(%dma_wait3A_34 : memref<40x128xi32, #tpu.memory_space<hbm>>) dst(%arg7 : memref<40x128xi32, #tpu.memory_space<vmem>>)
      tpu.yield
    }) : () -> ()
    "tpu.region"() ({
      %run_scoped3A = tpu.sem_alloc : memref<!tpu.dma_semaphore, #tpu.memory_space<semaphore_mem>>
      %dma_start3A = arith.constant 0 : i32
      %dma_start3A_21 = arith.constant 0 : i32
      %dma_start3A_22 = tpu.memref_slice %arg3[%add3A, %dma_start3A, %dma_start3A_21] : memref<32x80x128xi32, #tpu.memory_space<hbm>> -> memref<1x40x128xi32, #tpu.memory_space<hbm>>
      %dma_start3A_23 = tpu.memref_squeeze %dma_start3A_22 : memref<1x40x128xi32, #tpu.memory_space<hbm>> -> memref<40x128xi32, #tpu.memory_space<hbm>>
      %dma_start3A_24 = arith.constant 0 : i32
      %dma_start3A_25 = arith.constant 0 : i32
      %dma_start3A_26 = tpu.memref_slice %arg3[%add3A, %dma_start3A_24, %dma_start3A_25] : memref<32x80x128xi32, #tpu.memory_space<hbm>> -> memref<1x40x128xi32, #tpu.memory_space<hbm>>
      %dma_start3A_27 = tpu.memref_squeeze %dma_start3A_26 : memref<1x40x128xi32, #tpu.memory_space<hbm>> -> memref<40x128xi32, #tpu.memory_space<hbm>>
      tpu.enqueue_dma source(%dma_start3A_27 : memref<40x128xi32, #tpu.memory_space<hbm>>) target(%arg8 : memref<40x128xi32, #tpu.memory_space<vmem>>) target_semaphore(%run_scoped3A : memref<!tpu.dma_semaphore, #tpu.memory_space<semaphore_mem>>)
      %dma_wait3A = arith.constant 0 : i32
      %dma_wait3A_28 = arith.constant 0 : i32
      %dma_wait3A_29 = tpu.memref_slice %arg3[%add3A, %dma_wait3A, %dma_wait3A_28] : memref<32x80x128xi32, #tpu.memory_space<hbm>> -> memref<1x40x128xi32, #tpu.memory_space<hbm>>
      %dma_wait3A_30 = tpu.memref_squeeze %dma_wait3A_29 : memref<1x40x128xi32, #tpu.memory_space<hbm>> -> memref<40x128xi32, #tpu.memory_space<hbm>>
      %dma_wait3A_31 = arith.constant 0 : i32
      %dma_wait3A_32 = arith.constant 0 : i32
      %dma_wait3A_33 = tpu.memref_slice %arg3[%add3A, %dma_wait3A_31, %dma_wait3A_32] : memref<32x80x128xi32, #tpu.memory_space<hbm>> -> memref<1x40x128xi32, #tpu.memory_space<hbm>>
      %dma_wait3A_34 = tpu.memref_squeeze %dma_wait3A_33 : memref<1x40x128xi32, #tpu.memory_space<hbm>> -> memref<40x128xi32, #tpu.memory_space<hbm>>
      tpu.wait_dma2 semaphore(%run_scoped3A : memref<!tpu.dma_semaphore, #tpu.memory_space<semaphore_mem>>) src(%dma_wait3A_34 : memref<40x128xi32, #tpu.memory_space<hbm>>) dst(%arg8 : memref<40x128xi32, #tpu.memory_space<vmem>>)
      tpu.yield
    }) : () -> ()
    %scan3A = arith.constant 0 : i32
    %scan3A_5 = arith.constant 0 : i32
    %scan3A_6 = arith.constant 20 : i32
    %scan3A_7 = arith.addi %scan3A_5, %scan3A_6 : i32
    %scan3A_8 = arith.constant 1 : i32
    scf.for %scan3A_21 = %scan3A_5 to %scan3A_7 step %scan3A_8  : i32 {
      %mul3A_22 = arith.constant 2 : i32
      %mul3A_23 = arith.muli %scan3A_21, %mul3A_22 : i32
      %add3A_24 = arith.constant 0 : i32
      %add3A_25 = arith.addi %mul3A_23, %add3A_24 : i32
      %dma_start3A = arith.constant 0 : i32
      %dma_start3A_26 = tpu.memref_slice %arg7[%add3A_25, %dma_start3A] : memref<40x128xi32, #tpu.memory_space<vmem>> -> memref<1x128xi32, #tpu.memory_space<vmem>>
      %dma_start3A_27 = tpu.memref_squeeze %dma_start3A_26 : memref<1x128xi32, #tpu.memory_space<vmem>> -> memref<128xi32, #tpu.memory_space<vmem>>
      %dma_start3A_28 = arith.constant 0 : i32
      %dma_start3A_29 = arith.constant 0 : i32
      %dma_start3A_30 = tpu.memref_slice %arg4[%dma_start3A_28, %dma_start3A_29] : memref<10240x128xf32, #tpu.memory_space<hbm>> -> memref<10240x128xf32, #tpu.memory_space<hbm>>
      tpu.enqueue_indirect_dma source(%dma_start3A_30 : memref<10240x128xf32, #tpu.memory_space<hbm>>) target(%arg9 : memref<128x128xf32, #tpu.memory_space<vmem>>) offsets(%dma_start3A_27 : memref<128xi32, #tpu.memory_space<vmem>>) semaphore(%arg12 : memref<!tpu.dma_semaphore, #tpu.memory_space<semaphore_mem>>)
      %mul3A_31 = arith.constant 2 : i32
      %mul3A_32 = arith.muli %scan3A_21, %mul3A_31 : i32
      %add3A_33 = arith.constant 1 : i32
      %add3A_34 = arith.addi %mul3A_32, %add3A_33 : i32
      %dma_start3A_35 = arith.constant 0 : i32
      %dma_start3A_36 = tpu.memref_slice %arg7[%add3A_34, %dma_start3A_35] : memref<40x128xi32, #tpu.memory_space<vmem>> -> memref<1x128xi32, #tpu.memory_space<vmem>>
      %dma_start3A_37 = tpu.memref_squeeze %dma_start3A_36 : memref<1x128xi32, #tpu.memory_space<vmem>> -> memref<128xi32, #tpu.memory_space<vmem>>
      %dma_start3A_38 = arith.constant 0 : i32
      %dma_start3A_39 = arith.constant 0 : i32
      %dma_start3A_40 = tpu.memref_slice %arg4[%dma_start3A_38, %dma_start3A_39] : memref<10240x128xf32, #tpu.memory_space<hbm>> -> memref<10240x128xf32, #tpu.memory_space<hbm>>
      tpu.enqueue_indirect_dma source(%dma_start3A_40 : memref<10240x128xf32, #tpu.memory_space<hbm>>) target(%arg10 : memref<128x128xf32, #tpu.memory_space<vmem>>) offsets(%dma_start3A_37 : memref<128xi32, #tpu.memory_space<vmem>>) semaphore(%arg13 : memref<!tpu.dma_semaphore, #tpu.memory_space<semaphore_mem>>)
      %mul3A_41 = arith.constant 2 : i32
      %mul3A_42 = arith.muli %scan3A_21, %mul3A_41 : i32
      %add3A_43 = arith.constant 0 : i32
      %add3A_44 = arith.addi %mul3A_42, %add3A_43 : i32
      %dma_wait3A = arith.constant 0 : i32
      %dma_wait3A_45 = tpu.memref_slice %arg7[%add3A_25, %dma_wait3A] : memref<40x128xi32, #tpu.memory_space<vmem>> -> memref<1x128xi32, #tpu.memory_space<vmem>>
      %dma_wait3A_46 = tpu.memref_squeeze %dma_wait3A_45 : memref<1x128xi32, #tpu.memory_space<vmem>> -> memref<128xi32, #tpu.memory_space<vmem>>
      %dma_wait3A_47 = arith.constant 0 : i32
      %dma_wait3A_48 = arith.constant 0 : i32
      %dma_wait3A_49 = tpu.memref_slice %arg4[%dma_wait3A_47, %dma_wait3A_48] : memref<10240x128xf32, #tpu.memory_space<hbm>> -> memref<10240x128xf32, #tpu.memory_space<hbm>>
      tpu.wait_indirect_dma semaphore(%arg12 : memref<!tpu.dma_semaphore, #tpu.memory_space<semaphore_mem>>) src(%dma_wait3A_49 : memref<10240x128xf32, #tpu.memory_space<hbm>>) dst(%arg9 : memref<128x128xf32, #tpu.memory_space<vmem>>)
      %dma_start3A_50 = arith.constant 0 : i32
      %dma_start3A_51 = tpu.memref_slice %arg8[%add3A_44, %dma_start3A_50] : memref<40x128xi32, #tpu.memory_space<vmem>> -> memref<1x128xi32, #tpu.memory_space<vmem>>
      %dma_start3A_52 = tpu.memref_squeeze %dma_start3A_51 : memref<1x128xi32, #tpu.memory_space<vmem>> -> memref<128xi32, #tpu.memory_space<vmem>>
      %dma_start3A_53 = arith.constant 0 : i32
      %dma_start3A_54 = arith.constant 0 : i32
      %dma_start3A_55 = tpu.memref_slice %arg11[%dma_start3A_53, %dma_start3A_54] : memref<10240x128xf32, #tpu.memory_space<vmem_shared>> -> memref<10240x128xf32, #tpu.memory_space<vmem_shared>>
      tpu.enqueue_indirect_dma source(%arg9 : memref<128x128xf32, #tpu.memory_space<vmem>>) target(%dma_start3A_55 : memref<10240x128xf32, #tpu.memory_space<vmem_shared>>) offsets(%dma_start3A_52 : memref<128xi32, #tpu.memory_space<vmem>>) semaphore(%arg14 : memref<!tpu.dma_semaphore, #tpu.memory_space<semaphore_mem>>) {add = true}
      %mul3A_56 = arith.constant 2 : i32
      %mul3A_57 = arith.muli %scan3A_21, %mul3A_56 : i32
      %add3A_58 = arith.constant 1 : i32
      %add3A_59 = arith.addi %mul3A_57, %add3A_58 : i32
      %dma_wait3A_60 = arith.constant 0 : i32
      %dma_wait3A_61 = tpu.memref_slice %arg7[%add3A_34, %dma_wait3A_60] : memref<40x128xi32, #tpu.memory_space<vmem>> -> memref<1x128xi32, #tpu.memory_space<vmem>>
      %dma_wait3A_62 = tpu.memref_squeeze %dma_wait3A_61 : memref<1x128xi32, #tpu.memory_space<vmem>> -> memref<128xi32, #tpu.memory_space<vmem>>
      %dma_wait3A_63 = arith.constant 0 : i32
      %dma_wait3A_64 = arith.constant 0 : i32
      %dma_wait3A_65 = tpu.memref_slice %arg4[%dma_wait3A_63, %dma_wait3A_64] : memref<10240x128xf32, #tpu.memory_space<hbm>> -> memref<10240x128xf32, #tpu.memory_space<hbm>>
      tpu.wait_indirect_dma semaphore(%arg13 : memref<!tpu.dma_semaphore, #tpu.memory_space<semaphore_mem>>) src(%dma_wait3A_65 : memref<10240x128xf32, #tpu.memory_space<hbm>>) dst(%arg10 : memref<128x128xf32, #tpu.memory_space<vmem>>)
      %dma_start3A_66 = arith.constant 0 : i32
      %dma_start3A_67 = tpu.memref_slice %arg8[%add3A_59, %dma_start3A_66] : memref<40x128xi32, #tpu.memory_space<vmem>> -> memref<1x128xi32, #tpu.memory_space<vmem>>
      %dma_start3A_68 = tpu.memref_squeeze %dma_start3A_67 : memref<1x128xi32, #tpu.memory_space<vmem>> -> memref<128xi32, #tpu.memory_space<vmem>>
      %dma_start3A_69 = arith.constant 0 : i32
      %dma_start3A_70 = arith.constant 0 : i32
      %dma_start3A_71 = tpu.memref_slice %arg11[%dma_start3A_69, %dma_start3A_70] : memref<10240x128xf32, #tpu.memory_space<vmem_shared>> -> memref<10240x128xf32, #tpu.memory_space<vmem_shared>>
      tpu.enqueue_indirect_dma source(%arg10 : memref<128x128xf32, #tpu.memory_space<vmem>>) target(%dma_start3A_71 : memref<10240x128xf32, #tpu.memory_space<vmem_shared>>) offsets(%dma_start3A_68 : memref<128xi32, #tpu.memory_space<vmem>>) semaphore(%arg15 : memref<!tpu.dma_semaphore, #tpu.memory_space<semaphore_mem>>) {add = true}
      %dma_wait3A_72 = arith.constant 0 : i32
      %dma_wait3A_73 = tpu.memref_slice %arg8[%add3A_44, %dma_wait3A_72] : memref<40x128xi32, #tpu.memory_space<vmem>> -> memref<1x128xi32, #tpu.memory_space<vmem>>
      %dma_wait3A_74 = tpu.memref_squeeze %dma_wait3A_73 : memref<1x128xi32, #tpu.memory_space<vmem>> -> memref<128xi32, #tpu.memory_space<vmem>>
      %dma_wait3A_75 = arith.constant 0 : i32
      %dma_wait3A_76 = arith.constant 0 : i32
      %dma_wait3A_77 = tpu.memref_slice %arg11[%dma_wait3A_75, %dma_wait3A_76] : memref<10240x128xf32, #tpu.memory_space<vmem_shared>> -> memref<10240x128xf32, #tpu.memory_space<vmem_shared>>
      tpu.wait_indirect_dma semaphore(%arg14 : memref<!tpu.dma_semaphore, #tpu.memory_space<semaphore_mem>>) src(%arg9 : memref<128x128xf32, #tpu.memory_space<vmem>>) dst(%dma_wait3A_77 : memref<10240x128xf32, #tpu.memory_space<vmem_shared>>)
      %dma_wait3A_78 = arith.constant 0 : i32
      %dma_wait3A_79 = tpu.memref_slice %arg8[%add3A_59, %dma_wait3A_78] : memref<40x128xi32, #tpu.memory_space<vmem>> -> memref<1x128xi32, #tpu.memory_space<vmem>>
      %dma_wait3A_80 = tpu.memref_squeeze %dma_wait3A_79 : memref<1x128xi32, #tpu.memory_space<vmem>> -> memref<128xi32, #tpu.memory_space<vmem>>
      %dma_wait3A_81 = arith.constant 0 : i32
      %dma_wait3A_82 = arith.constant 0 : i32
      %dma_wait3A_83 = tpu.memref_slice %arg11[%dma_wait3A_81, %dma_wait3A_82] : memref<10240x128xf32, #tpu.memory_space<vmem_shared>> -> memref<10240x128xf32, #tpu.memory_space<vmem_shared>>
      tpu.wait_indirect_dma semaphore(%arg15 : memref<!tpu.dma_semaphore, #tpu.memory_space<semaphore_mem>>) src(%arg10 : memref<128x128xf32, #tpu.memory_space<vmem>>) dst(%dma_wait3A_83 : memref<10240x128xf32, #tpu.memory_space<vmem_shared>>)
    }
    %scan3A_9 = arith.constant 20 : i32
    "tpu.region"() ({
      %run_scoped3A = tpu.sem_alloc : memref<!tpu.dma_semaphore, #tpu.memory_space<semaphore_mem>>
      %dma_start3A = arith.constant 40 : i32
      %dma_start3A_21 = arith.constant 0 : i32
      %dma_start3A_22 = tpu.memref_slice %arg2[%add3A, %dma_start3A, %dma_start3A_21] : memref<32x80x128xi32, #tpu.memory_space<hbm>> -> memref<1x40x128xi32, #tpu.memory_space<hbm>>
      %dma_start3A_23 = tpu.memref_squeeze %dma_start3A_22 : memref<1x40x128xi32, #tpu.memory_space<hbm>> -> memref<40x128xi32, #tpu.memory_space<hbm>>
      %dma_start3A_24 = arith.constant 40 : i32
      %dma_start3A_25 = arith.constant 0 : i32
      %dma_start3A_26 = tpu.memref_slice %arg2[%add3A, %dma_start3A_24, %dma_start3A_25] : memref<32x80x128xi32, #tpu.memory_space<hbm>> -> memref<1x40x128xi32, #tpu.memory_space<hbm>>
      %dma_start3A_27 = tpu.memref_squeeze %dma_start3A_26 : memref<1x40x128xi32, #tpu.memory_space<hbm>> -> memref<40x128xi32, #tpu.memory_space<hbm>>
      tpu.enqueue_dma source(%dma_start3A_27 : memref<40x128xi32, #tpu.memory_space<hbm>>) target(%arg7 : memref<40x128xi32, #tpu.memory_space<vmem>>) target_semaphore(%run_scoped3A : memref<!tpu.dma_semaphore, #tpu.memory_space<semaphore_mem>>)
      %dma_wait3A = arith.constant 40 : i32
      %dma_wait3A_28 = arith.constant 0 : i32
      %dma_wait3A_29 = tpu.memref_slice %arg2[%add3A, %dma_wait3A, %dma_wait3A_28] : memref<32x80x128xi32, #tpu.memory_space<hbm>> -> memref<1x40x128xi32, #tpu.memory_space<hbm>>
      %dma_wait3A_30 = tpu.memref_squeeze %dma_wait3A_29 : memref<1x40x128xi32, #tpu.memory_space<hbm>> -> memref<40x128xi32, #tpu.memory_space<hbm>>
      %dma_wait3A_31 = arith.constant 40 : i32
      %dma_wait3A_32 = arith.constant 0 : i32
      %dma_wait3A_33 = tpu.memref_slice %arg2[%add3A, %dma_wait3A_31, %dma_wait3A_32] : memref<32x80x128xi32, #tpu.memory_space<hbm>> -> memref<1x40x128xi32, #tpu.memory_space<hbm>>
      %dma_wait3A_34 = tpu.memref_squeeze %dma_wait3A_33 : memref<1x40x128xi32, #tpu.memory_space<hbm>> -> memref<40x128xi32, #tpu.memory_space<hbm>>
      tpu.wait_dma2 semaphore(%run_scoped3A : memref<!tpu.dma_semaphore, #tpu.memory_space<semaphore_mem>>) src(%dma_wait3A_34 : memref<40x128xi32, #tpu.memory_space<hbm>>) dst(%arg7 : memref<40x128xi32, #tpu.memory_space<vmem>>)
      tpu.yield
    }) : () -> ()
    "tpu.region"() ({
      %run_scoped3A = tpu.sem_alloc : memref<!tpu.dma_semaphore, #tpu.memory_space<semaphore_mem>>
      %dma_start3A = arith.constant 40 : i32
      %dma_start3A_21 = arith.constant 0 : i32
      %dma_start3A_22 = tpu.memref_slice %arg3[%add3A, %dma_start3A, %dma_start3A_21] : memref<32x80x128xi32, #tpu.memory_space<hbm>> -> memref<1x40x128xi32, #tpu.memory_space<hbm>>
      %dma_start3A_23 = tpu.memref_squeeze %dma_start3A_22 : memref<1x40x128xi32, #tpu.memory_space<hbm>> -> memref<40x128xi32, #tpu.memory_space<hbm>>
      %dma_start3A_24 = arith.constant 40 : i32
      %dma_start3A_25 = arith.constant 0 : i32
      %dma_start3A_26 = tpu.memref_slice %arg3[%add3A, %dma_start3A_24, %dma_start3A_25] : memref<32x80x128xi32, #tpu.memory_space<hbm>> -> memref<1x40x128xi32, #tpu.memory_space<hbm>>
      %dma_start3A_27 = tpu.memref_squeeze %dma_start3A_26 : memref<1x40x128xi32, #tpu.memory_space<hbm>> -> memref<40x128xi32, #tpu.memory_space<hbm>>
      tpu.enqueue_dma source(%dma_start3A_27 : memref<40x128xi32, #tpu.memory_space<hbm>>) target(%arg8 : memref<40x128xi32, #tpu.memory_space<vmem>>) target_semaphore(%run_scoped3A : memref<!tpu.dma_semaphore, #tpu.memory_space<semaphore_mem>>)
      %dma_wait3A = arith.constant 40 : i32
      %dma_wait3A_28 = arith.constant 0 : i32
      %dma_wait3A_29 = tpu.memref_slice %arg3[%add3A, %dma_wait3A, %dma_wait3A_28] : memref<32x80x128xi32, #tpu.memory_space<hbm>> -> memref<1x40x128xi32, #tpu.memory_space<hbm>>
      %dma_wait3A_30 = tpu.memref_squeeze %dma_wait3A_29 : memref<1x40x128xi32, #tpu.memory_space<hbm>> -> memref<40x128xi32, #tpu.memory_space<hbm>>
      %dma_wait3A_31 = arith.constant 40 : i32
      %dma_wait3A_32 = arith.constant 0 : i32
      %dma_wait3A_33 = tpu.memref_slice %arg3[%add3A, %dma_wait3A_31, %dma_wait3A_32] : memref<32x80x128xi32, #tpu.memory_space<hbm>> -> memref<1x40x128xi32, #tpu.memory_space<hbm>>
      %dma_wait3A_34 = tpu.memref_squeeze %dma_wait3A_33 : memref<1x40x128xi32, #tpu.memory_space<hbm>> -> memref<40x128xi32, #tpu.memory_space<hbm>>
      tpu.wait_dma2 semaphore(%run_scoped3A : memref<!tpu.dma_semaphore, #tpu.memory_space<semaphore_mem>>) src(%dma_wait3A_34 : memref<40x128xi32, #tpu.memory_space<hbm>>) dst(%arg8 : memref<40x128xi32, #tpu.memory_space<vmem>>)
      tpu.yield
    }) : () -> ()
    %scan3A_10 = arith.constant 0 : i32
    %scan3A_11 = arith.constant 0 : i32
    %scan3A_12 = arith.constant 20 : i32
    %scan3A_13 = arith.addi %scan3A_11, %scan3A_12 : i32
    %scan3A_14 = arith.constant 1 : i32
    scf.for %scan3A_21 = %scan3A_11 to %scan3A_13 step %scan3A_14  : i32 {
      %mul3A_22 = arith.constant 2 : i32
      %mul3A_23 = arith.muli %scan3A_21, %mul3A_22 : i32
      %add3A_24 = arith.constant 0 : i32
      %add3A_25 = arith.addi %mul3A_23, %add3A_24 : i32
      %dma_start3A = arith.constant 0 : i32
      %dma_start3A_26 = tpu.memref_slice %arg7[%add3A_25, %dma_start3A] : memref<40x128xi32, #tpu.memory_space<vmem>> -> memref<1x128xi32, #tpu.memory_space<vmem>>
      %dma_start3A_27 = tpu.memref_squeeze %dma_start3A_26 : memref<1x128xi32, #tpu.memory_space<vmem>> -> memref<128xi32, #tpu.memory_space<vmem>>
      %dma_start3A_28 = arith.constant 0 : i32
      %dma_start3A_29 = arith.constant 0 : i32
      %dma_start3A_30 = tpu.memref_slice %arg4[%dma_start3A_28, %dma_start3A_29] : memref<10240x128xf32, #tpu.memory_space<hbm>> -> memref<10240x128xf32, #tpu.memory_space<hbm>>
      tpu.enqueue_indirect_dma source(%dma_start3A_30 : memref<10240x128xf32, #tpu.memory_space<hbm>>) target(%arg9 : memref<128x128xf32, #tpu.memory_space<vmem>>) offsets(%dma_start3A_27 : memref<128xi32, #tpu.memory_space<vmem>>) semaphore(%arg12 : memref<!tpu.dma_semaphore, #tpu.memory_space<semaphore_mem>>)
      %mul3A_31 = arith.constant 2 : i32
      %mul3A_32 = arith.muli %scan3A_21, %mul3A_31 : i32
      %add3A_33 = arith.constant 1 : i32
      %add3A_34 = arith.addi %mul3A_32, %add3A_33 : i32
      %dma_start3A_35 = arith.constant 0 : i32
      %dma_start3A_36 = tpu.memref_slice %arg7[%add3A_34, %dma_start3A_35] : memref<40x128xi32, #tpu.memory_space<vmem>> -> memref<1x128xi32, #tpu.memory_space<vmem>>
      %dma_start3A_37 = tpu.memref_squeeze %dma_start3A_36 : memref<1x128xi32, #tpu.memory_space<vmem>> -> memref<128xi32, #tpu.memory_space<vmem>>
      %dma_start3A_38 = arith.constant 0 : i32
      %dma_start3A_39 = arith.constant 0 : i32
      %dma_start3A_40 = tpu.memref_slice %arg4[%dma_start3A_38, %dma_start3A_39] : memref<10240x128xf32, #tpu.memory_space<hbm>> -> memref<10240x128xf32, #tpu.memory_space<hbm>>
      tpu.enqueue_indirect_dma source(%dma_start3A_40 : memref<10240x128xf32, #tpu.memory_space<hbm>>) target(%arg10 : memref<128x128xf32, #tpu.memory_space<vmem>>) offsets(%dma_start3A_37 : memref<128xi32, #tpu.memory_space<vmem>>) semaphore(%arg13 : memref<!tpu.dma_semaphore, #tpu.memory_space<semaphore_mem>>)
      %mul3A_41 = arith.constant 2 : i32
      %mul3A_42 = arith.muli %scan3A_21, %mul3A_41 : i32
      %add3A_43 = arith.constant 0 : i32
      %add3A_44 = arith.addi %mul3A_42, %add3A_43 : i32
      %dma_wait3A = arith.constant 0 : i32
      %dma_wait3A_45 = tpu.memref_slice %arg7[%add3A_25, %dma_wait3A] : memref<40x128xi32, #tpu.memory_space<vmem>> -> memref<1x128xi32, #tpu.memory_space<vmem>>
      %dma_wait3A_46 = tpu.memref_squeeze %dma_wait3A_45 : memref<1x128xi32, #tpu.memory_space<vmem>> -> memref<128xi32, #tpu.memory_space<vmem>>
      %dma_wait3A_47 = arith.constant 0 : i32
      %dma_wait3A_48 = arith.constant 0 : i32
      %dma_wait3A_49 = tpu.memref_slice %arg4[%dma_wait3A_47, %dma_wait3A_48] : memref<10240x128xf32, #tpu.memory_space<hbm>> -> memref<10240x128xf32, #tpu.memory_space<hbm>>
      tpu.wait_indirect_dma semaphore(%arg12 : memref<!tpu.dma_semaphore, #tpu.memory_space<semaphore_mem>>) src(%dma_wait3A_49 : memref<10240x128xf32, #tpu.memory_space<hbm>>) dst(%arg9 : memref<128x128xf32, #tpu.memory_space<vmem>>)
      %dma_start3A_50 = arith.constant 0 : i32
      %dma_start3A_51 = tpu.memref_slice %arg8[%add3A_44, %dma_start3A_50] : memref<40x128xi32, #tpu.memory_space<vmem>> -> memref<1x128xi32, #tpu.memory_space<vmem>>
      %dma_start3A_52 = tpu.memref_squeeze %dma_start3A_51 : memref<1x128xi32, #tpu.memory_space<vmem>> -> memref<128xi32, #tpu.memory_space<vmem>>
      %dma_start3A_53 = arith.constant 0 : i32
      %dma_start3A_54 = arith.constant 0 : i32
      %dma_start3A_55 = tpu.memref_slice %arg11[%dma_start3A_53, %dma_start3A_54] : memref<10240x128xf32, #tpu.memory_space<vmem_shared>> -> memref<10240x128xf32, #tpu.memory_space<vmem_shared>>
      tpu.enqueue_indirect_dma source(%arg9 : memref<128x128xf32, #tpu.memory_space<vmem>>) target(%dma_start3A_55 : memref<10240x128xf32, #tpu.memory_space<vmem_shared>>) offsets(%dma_start3A_52 : memref<128xi32, #tpu.memory_space<vmem>>) semaphore(%arg14 : memref<!tpu.dma_semaphore, #tpu.memory_space<semaphore_mem>>) {add = true}
      %mul3A_56 = arith.constant 2 : i32
      %mul3A_57 = arith.muli %scan3A_21, %mul3A_56 : i32
      %add3A_58 = arith.constant 1 : i32
      %add3A_59 = arith.addi %mul3A_57, %add3A_58 : i32
      %dma_wait3A_60 = arith.constant 0 : i32
      %dma_wait3A_61 = tpu.memref_slice %arg7[%add3A_34, %dma_wait3A_60] : memref<40x128xi32, #tpu.memory_space<vmem>> -> memref<1x128xi32, #tpu.memory_space<vmem>>
      %dma_wait3A_62 = tpu.memref_squeeze %dma_wait3A_61 : memref<1x128xi32, #tpu.memory_space<vmem>> -> memref<128xi32, #tpu.memory_space<vmem>>
      %dma_wait3A_63 = arith.constant 0 : i32
      %dma_wait3A_64 = arith.constant 0 : i32
      %dma_wait3A_65 = tpu.memref_slice %arg4[%dma_wait3A_63, %dma_wait3A_64] : memref<10240x128xf32, #tpu.memory_space<hbm>> -> memref<10240x128xf32, #tpu.memory_space<hbm>>
      tpu.wait_indirect_dma semaphore(%arg13 : memref<!tpu.dma_semaphore, #tpu.memory_space<semaphore_mem>>) src(%dma_wait3A_65 : memref<10240x128xf32, #tpu.memory_space<hbm>>) dst(%arg10 : memref<128x128xf32, #tpu.memory_space<vmem>>)
      %dma_start3A_66 = arith.constant 0 : i32
      %dma_start3A_67 = tpu.memref_slice %arg8[%add3A_59, %dma_start3A_66] : memref<40x128xi32, #tpu.memory_space<vmem>> -> memref<1x128xi32, #tpu.memory_space<vmem>>
      %dma_start3A_68 = tpu.memref_squeeze %dma_start3A_67 : memref<1x128xi32, #tpu.memory_space<vmem>> -> memref<128xi32, #tpu.memory_space<vmem>>
      %dma_start3A_69 = arith.constant 0 : i32
      %dma_start3A_70 = arith.constant 0 : i32
      %dma_start3A_71 = tpu.memref_slice %arg11[%dma_start3A_69, %dma_start3A_70] : memref<10240x128xf32, #tpu.memory_space<vmem_shared>> -> memref<10240x128xf32, #tpu.memory_space<vmem_shared>>
      tpu.enqueue_indirect_dma source(%arg10 : memref<128x128xf32, #tpu.memory_space<vmem>>) target(%dma_start3A_71 : memref<10240x128xf32, #tpu.memory_space<vmem_shared>>) offsets(%dma_start3A_68 : memref<128xi32, #tpu.memory_space<vmem>>) semaphore(%arg15 : memref<!tpu.dma_semaphore, #tpu.memory_space<semaphore_mem>>) {add = true}
      %dma_wait3A_72 = arith.constant 0 : i32
      %dma_wait3A_73 = tpu.memref_slice %arg8[%add3A_44, %dma_wait3A_72] : memref<40x128xi32, #tpu.memory_space<vmem>> -> memref<1x128xi32, #tpu.memory_space<vmem>>
      %dma_wait3A_74 = tpu.memref_squeeze %dma_wait3A_73 : memref<1x128xi32, #tpu.memory_space<vmem>> -> memref<128xi32, #tpu.memory_space<vmem>>
      %dma_wait3A_75 = arith.constant 0 : i32
      %dma_wait3A_76 = arith.constant 0 : i32
      %dma_wait3A_77 = tpu.memref_slice %arg11[%dma_wait3A_75, %dma_wait3A_76] : memref<10240x128xf32, #tpu.memory_space<vmem_shared>> -> memref<10240x128xf32, #tpu.memory_space<vmem_shared>>
      tpu.wait_indirect_dma semaphore(%arg14 : memref<!tpu.dma_semaphore, #tpu.memory_space<semaphore_mem>>) src(%arg9 : memref<128x128xf32, #tpu.memory_space<vmem>>) dst(%dma_wait3A_77 : memref<10240x128xf32, #tpu.memory_space<vmem_shared>>)
      %dma_wait3A_78 = arith.constant 0 : i32
      %dma_wait3A_79 = tpu.memref_slice %arg8[%add3A_59, %dma_wait3A_78] : memref<40x128xi32, #tpu.memory_space<vmem>> -> memref<1x128xi32, #tpu.memory_space<vmem>>
      %dma_wait3A_80 = tpu.memref_squeeze %dma_wait3A_79 : memref<1x128xi32, #tpu.memory_space<vmem>> -> memref<128xi32, #tpu.memory_space<vmem>>
      %dma_wait3A_81 = arith.constant 0 : i32
      %dma_wait3A_82 = arith.constant 0 : i32
      %dma_wait3A_83 = tpu.memref_slice %arg11[%dma_wait3A_81, %dma_wait3A_82] : memref<10240x128xf32, #tpu.memory_space<vmem_shared>> -> memref<10240x128xf32, #tpu.memory_space<vmem_shared>>
      tpu.wait_indirect_dma semaphore(%arg15 : memref<!tpu.dma_semaphore, #tpu.memory_space<semaphore_mem>>) src(%arg10 : memref<128x128xf32, #tpu.memory_space<vmem>>) dst(%dma_wait3A_83 : memref<10240x128xf32, #tpu.memory_space<vmem_shared>>)
    }
    %scan3A_15 = arith.constant 20 : i32
    %barrier3A_16 = arith.constant 0 : index
    tpu.barrier barrier_id(%barrier3A_16)
    %mul3A_17 = arith.constant 640 : i32
    %mul3A_18 = arith.muli %arg1, %mul3A_17 : i32
    %mul3A_19 = arith.constant 640 : i32
    %mul3A_20 = arith.muli %arg1, %mul3A_19 : i32
    "tpu.region"() ({
      %run_scoped3A = tpu.sem_alloc : memref<!tpu.dma_semaphore, #tpu.memory_space<semaphore_mem>>
      %dma_start3A = arith.constant 0 : i32
      %dma_start3A_21 = tpu.memref_slice %arg6[%arg0, %mul3A_20, %dma_start3A] : memref<2x10240x128xf32, #tpu.memory_space<hbm>> -> memref<1x640x128xf32, #tpu.memory_space<hbm>>
      %dma_start3A_22 = tpu.memref_squeeze %dma_start3A_21 : memref<1x640x128xf32, #tpu.memory_space<hbm>> -> memref<640x128xf32, #tpu.memory_space<hbm>>
      %dma_start3A_23 = arith.constant 0 : i32
      %dma_start3A_24 = tpu.memref_slice %arg11[%mul3A_18, %dma_start3A_23] : memref<10240x128xf32, #tpu.memory_space<vmem_shared>> -> memref<640x128xf32, #tpu.memory_space<vmem_shared>>
      tpu.enqueue_dma source(%dma_start3A_24 : memref<640x128xf32, #tpu.memory_space<vmem_shared>>) target(%dma_start3A_22 : memref<640x128xf32, #tpu.memory_space<hbm>>) target_semaphore(%run_scoped3A : memref<!tpu.dma_semaphore, #tpu.memory_space<semaphore_mem>>)
      %dma_wait3A = arith.constant 0 : i32
      %dma_wait3A_25 = tpu.memref_slice %arg6[%arg0, %mul3A_20, %dma_wait3A] : memref<2x10240x128xf32, #tpu.memory_space<hbm>> -> memref<1x640x128xf32, #tpu.memory_space<hbm>>
      %dma_wait3A_26 = tpu.memref_squeeze %dma_wait3A_25 : memref<1x640x128xf32, #tpu.memory_space<hbm>> -> memref<640x128xf32, #tpu.memory_space<hbm>>
      %dma_wait3A_27 = arith.constant 0 : i32
      %dma_wait3A_28 = tpu.memref_slice %arg11[%mul3A_18, %dma_wait3A_27] : memref<10240x128xf32, #tpu.memory_space<vmem_shared>> -> memref<640x128xf32, #tpu.memory_space<vmem_shared>>
      tpu.wait_dma2 semaphore(%run_scoped3A : memref<!tpu.dma_semaphore, #tpu.memory_space<semaphore_mem>>) src(%dma_wait3A_28 : memref<640x128xf32, #tpu.memory_space<vmem_shared>>) dst(%dma_wait3A_26 : memref<640x128xf32, #tpu.memory_space<hbm>>)
      tpu.yield
    }) : () -> ()
    return
  }
}

#map = affine_map<(d0, d1) -> (0, 0, 0)>
#map1 = affine_map<(d0, d1) -> (0, 0)>
module attributes {stable_mosaic.version = 14 : i64} {
  func.func @_spmm_kernel(%arg0: i32, %arg1: i32, %arg2: memref<32x80x128xi32, #tpu.memory_space<hbm>>, %arg3: memref<32x80x128xi32, #tpu.memory_space<hbm>>, %arg4: memref<10240x128xf32, #tpu.memory_space<hbm>>, %arg5: memref<10240x128xf32, #tpu.memory_space<hbm>>, %arg6: memref<2x10240x128xf32, #tpu.memory_space<hbm>>, %arg7: memref<40x128xi32, #tpu.memory_space<vmem>>, %arg8: memref<40x128xi32, #tpu.memory_space<vmem>>, %arg9: memref<128x128xf32, #tpu.memory_space<vmem>>, %arg10: memref<128x128xf32, #tpu.memory_space<vmem>>, %arg11: memref<10240x128xf32, #tpu.memory_space<vmem_shared>>, %arg12: memref<!tpu.dma_semaphore, #tpu.memory_space<semaphore_mem>>, %arg13: memref<!tpu.dma_semaphore, #tpu.memory_space<semaphore_mem>>, %arg14: memref<!tpu.dma_semaphore, #tpu.memory_space<semaphore_mem>>, %arg15: memref<!tpu.dma_semaphore, #tpu.memory_space<semaphore_mem>>) attributes {dimension_semantics = [#tpu.dimension_semantics<core_parallel>, #tpu.dimension_semantics<subcore_parallel>], iteration_bounds = array<i64: 2, 16>, scalar_prefetch = 0 : i64, scratch_operands = 9 : i64, tpu.core_type = #tpu.core_type<sc_vector_subcore>, window_params = [{transform_indices = #map}, {transform_indices = #map}, {transform_indices = #map1}, {transform_indices = #map1}, {transform_indices = #map}]} {
    %mul3A = arith.constant 16 : i32
    %mul3A_0 = arith.muli %arg0, %mul3A : i32
    %add3A = arith.addi %mul3A_0, %arg1 : i32
    %mul3A_1 = arith.constant 640 : i32
    %mul3A_2 = arith.muli %arg1, %mul3A_1 : i32
    %mul3A_3 = arith.constant 640 : i32
    %mul3A_4 = arith.muli %arg1, %mul3A_3 : i32
    "tpu.region"() ({
      %run_scoped3A = tpu.sem_alloc : memref<!tpu.dma_semaphore, #tpu.memory_space<semaphore_mem>>
      %dma_start3A = arith.constant 0 : i32
      %dma_start3A_21 = tpu.memref_slice %arg11[%mul3A_4, %dma_start3A] : memref<10240x128xf32, #tpu.memory_space<vmem_shared>> -> memref<640x128xf32, #tpu.memory_space<vmem_shared>>
      %dma_start3A_22 = arith.constant 0 : i32
      %dma_start3A_23 = tpu.memref_slice %arg5[%mul3A_2, %dma_start3A_22] : memref<10240x128xf32, #tpu.memory_space<hbm>> -> memref<640x128xf32, #tpu.memory_space<hbm>>
      tpu.enqueue_dma source(%dma_start3A_23 : memref<640x128xf32, #tpu.memory_space<hbm>>) target(%dma_start3A_21 : memref<640x128xf32, #tpu.memory_space<vmem_shared>>) target_semaphore(%run_scoped3A : memref<!tpu.dma_semaphore, #tpu.memory_space<semaphore_mem>>)
      %dma_wait3A = arith.constant 0 : i32
      %dma_wait3A_24 = tpu.memref_slice %arg11[%mul3A_4, %dma_wait3A] : memref<10240x128xf32, #tpu.memory_space<vmem_shared>> -> memref<640x128xf32, #tpu.memory_space<vmem_shared>>
      %dma_wait3A_25 = arith.constant 0 : i32
      %dma_wait3A_26 = tpu.memref_slice %arg5[%mul3A_2, %dma_wait3A_25] : memref<10240x128xf32, #tpu.memory_space<hbm>> -> memref<640x128xf32, #tpu.memory_space<hbm>>
      tpu.wait_dma2 semaphore(%run_scoped3A : memref<!tpu.dma_semaphore, #tpu.memory_space<semaphore_mem>>) src(%dma_wait3A_26 : memref<640x128xf32, #tpu.memory_space<hbm>>) dst(%dma_wait3A_24 : memref<640x128xf32, #tpu.memory_space<vmem_shared>>)
      tpu.yield
    }) : () -> ()
    %barrier3A = arith.constant 0 : index
    tpu.barrier barrier_id(%barrier3A)
    "tpu.region"() ({
      %run_scoped3A = tpu.sem_alloc : memref<!tpu.dma_semaphore, #tpu.memory_space<semaphore_mem>>
      %dma_start3A = arith.constant 0 : i32
      %dma_start3A_21 = arith.constant 0 : i32
      %dma_start3A_22 = tpu.memref_slice %arg2[%add3A, %dma_start3A, %dma_start3A_21] : memref<32x80x128xi32, #tpu.memory_space<hbm>> -> memref<1x40x128xi32, #tpu.memory_space<hbm>>
      %dma_start3A_23 = tpu.memref_squeeze %dma_start3A_22 : memref<1x40x128xi32, #tpu.memory_space<hbm>> -> memref<40x128xi32, #tpu.memory_space<hbm>>
      %dma_start3A_24 = arith.constant 0 : i32
      %dma_start3A_25 = arith.constant 0 : i32
      %dma_start3A_26 = tpu.memref_slice %arg2[%add3A, %dma_start3A_24, %dma_start3A_25] : memref<32x80x128xi32, #tpu.memory_space<hbm>> -> memref<1x40x128xi32, #tpu.memory_space<hbm>>
      %dma_start3A_27 = tpu.memref_squeeze %dma_start3A_26 : memref<1x40x128xi32, #tpu.memory_space<hbm>> -> memref<40x128xi32, #tpu.memory_space<hbm>>
      tpu.enqueue_dma source(%dma_start3A_27 : memref<40x128xi32, #tpu.memory_space<hbm>>) target(%arg7 : memref<40x128xi32, #tpu.memory_space<vmem>>) target_semaphore(%run_scoped3A : memref<!tpu.dma_semaphore, #tpu.memory_space<semaphore_mem>>)
      %dma_wait3A = arith.constant 0 : i32
      %dma_wait3A_28 = arith.constant 0 : i32
      %dma_wait3A_29 = tpu.memref_slice %arg2[%add3A, %dma_wait3A, %dma_wait3A_28] : memref<32x80x128xi32, #tpu.memory_space<hbm>> -> memref<1x40x128xi32, #tpu.memory_space<hbm>>
      %dma_wait3A_30 = tpu.memref_squeeze %dma_wait3A_29 : memref<1x40x128xi32, #tpu.memory_space<hbm>> -> memref<40x128xi32, #tpu.memory_space<hbm>>
      %dma_wait3A_31 = arith.constant 0 : i32
      %dma_wait3A_32 = arith.constant 0 : i32
      %dma_wait3A_33 = tpu.memref_slice %arg2[%add3A, %dma_wait3A_31, %dma_wait3A_32] : memref<32x80x128xi32, #tpu.memory_space<hbm>> -> memref<1x40x128xi32, #tpu.memory_space<hbm>>
      %dma_wait3A_34 = tpu.memref_squeeze %dma_wait3A_33 : memref<1x40x128xi32, #tpu.memory_space<hbm>> -> memref<40x128xi32, #tpu.memory_space<hbm>>
      tpu.wait_dma2 semaphore(%run_scoped3A : memref<!tpu.dma_semaphore, #tpu.memory_space<semaphore_mem>>) src(%dma_wait3A_34 : memref<40x128xi32, #tpu.memory_space<hbm>>) dst(%arg7 : memref<40x128xi32, #tpu.memory_space<vmem>>)
      tpu.yield
    }) : () -> ()
    "tpu.region"() ({
      %run_scoped3A = tpu.sem_alloc : memref<!tpu.dma_semaphore, #tpu.memory_space<semaphore_mem>>
      %dma_start3A = arith.constant 0 : i32
      %dma_start3A_21 = arith.constant 0 : i32
      %dma_start3A_22 = tpu.memref_slice %arg3[%add3A, %dma_start3A, %dma_start3A_21] : memref<32x80x128xi32, #tpu.memory_space<hbm>> -> memref<1x40x128xi32, #tpu.memory_space<hbm>>
      %dma_start3A_23 = tpu.memref_squeeze %dma_start3A_22 : memref<1x40x128xi32, #tpu.memory_space<hbm>> -> memref<40x128xi32, #tpu.memory_space<hbm>>
      %dma_start3A_24 = arith.constant 0 : i32
      %dma_start3A_25 = arith.constant 0 : i32
      %dma_start3A_26 = tpu.memref_slice %arg3[%add3A, %dma_start3A_24, %dma_start3A_25] : memref<32x80x128xi32, #tpu.memory_space<hbm>> -> memref<1x40x128xi32, #tpu.memory_space<hbm>>
      %dma_start3A_27 = tpu.memref_squeeze %dma_start3A_26 : memref<1x40x128xi32, #tpu.memory_space<hbm>> -> memref<40x128xi32, #tpu.memory_space<hbm>>
      tpu.enqueue_dma source(%dma_start3A_27 : memref<40x128xi32, #tpu.memory_space<hbm>>) target(%arg8 : memref<40x128xi32, #tpu.memory_space<vmem>>) target_semaphore(%run_scoped3A : memref<!tpu.dma_semaphore, #tpu.memory_space<semaphore_mem>>)
      %dma_wait3A = arith.constant 0 : i32
      %dma_wait3A_28 = arith.constant 0 : i32
      %dma_wait3A_29 = tpu.memref_slice %arg3[%add3A, %dma_wait3A, %dma_wait3A_28] : memref<32x80x128xi32, #tpu.memory_space<hbm>> -> memref<1x40x128xi32, #tpu.memory_space<hbm>>
      %dma_wait3A_30 = tpu.memref_squeeze %dma_wait3A_29 : memref<1x40x128xi32, #tpu.memory_space<hbm>> -> memref<40x128xi32, #tpu.memory_space<hbm>>
      %dma_wait3A_31 = arith.constant 0 : i32
      %dma_wait3A_32 = arith.constant 0 : i32
      %dma_wait3A_33 = tpu.memref_slice %arg3[%add3A, %dma_wait3A_31, %dma_wait3A_32] : memref<32x80x128xi32, #tpu.memory_space<hbm>> -> memref<1x40x128xi32, #tpu.memory_space<hbm>>
      %dma_wait3A_34 = tpu.memref_squeeze %dma_wait3A_33 : memref<1x40x128xi32, #tpu.memory_space<hbm>> -> memref<40x128xi32, #tpu.memory_space<hbm>>
      tpu.wait_dma2 semaphore(%run_scoped3A : memref<!tpu.dma_semaphore, #tpu.memory_space<semaphore_mem>>) src(%dma_wait3A_34 : memref<40x128xi32, #tpu.memory_space<hbm>>) dst(%arg8 : memref<40x128xi32, #tpu.memory_space<vmem>>)
      tpu.yield
    }) : () -> ()
    %scan3A = arith.constant 0 : i32
    %scan3A_5 = arith.constant 0 : i32
    %scan3A_6 = arith.constant 20 : i32
    %scan3A_7 = arith.addi %scan3A_5, %scan3A_6 : i32
    %scan3A_8 = arith.constant 1 : i32
    scf.for %scan3A_21 = %scan3A_5 to %scan3A_7 step %scan3A_8  : i32 {
      %mul3A_22 = arith.constant 2 : i32
      %mul3A_23 = arith.muli %scan3A_21, %mul3A_22 : i32
      %add3A_24 = arith.constant 0 : i32
      %add3A_25 = arith.addi %mul3A_23, %add3A_24 : i32
      %dma_start3A = arith.constant 0 : i32
      %dma_start3A_26 = tpu.memref_slice %arg7[%add3A_25, %dma_start3A] : memref<40x128xi32, #tpu.memory_space<vmem>> -> memref<1x128xi32, #tpu.memory_space<vmem>>
      %dma_start3A_27 = tpu.memref_squeeze %dma_start3A_26 : memref<1x128xi32, #tpu.memory_space<vmem>> -> memref<128xi32, #tpu.memory_space<vmem>>
      %dma_start3A_28 = arith.constant 0 : i32
      %dma_start3A_29 = arith.constant 0 : i32
      %dma_start3A_30 = tpu.memref_slice %arg4[%dma_start3A_28, %dma_start3A_29] : memref<10240x128xf32, #tpu.memory_space<hbm>> -> memref<10240x128xf32, #tpu.memory_space<hbm>>
      tpu.enqueue_indirect_dma source(%dma_start3A_30 : memref<10240x128xf32, #tpu.memory_space<hbm>>) target(%arg9 : memref<128x128xf32, #tpu.memory_space<vmem>>) offsets(%dma_start3A_27 : memref<128xi32, #tpu.memory_space<vmem>>) semaphore(%arg12 : memref<!tpu.dma_semaphore, #tpu.memory_space<semaphore_mem>>)
      %mul3A_31 = arith.constant 2 : i32
      %mul3A_32 = arith.muli %scan3A_21, %mul3A_31 : i32
      %add3A_33 = arith.constant 1 : i32
      %add3A_34 = arith.addi %mul3A_32, %add3A_33 : i32
      %dma_start3A_35 = arith.constant 0 : i32
      %dma_start3A_36 = tpu.memref_slice %arg7[%add3A_34, %dma_start3A_35] : memref<40x128xi32, #tpu.memory_space<vmem>> -> memref<1x128xi32, #tpu.memory_space<vmem>>
      %dma_start3A_37 = tpu.memref_squeeze %dma_start3A_36 : memref<1x128xi32, #tpu.memory_space<vmem>> -> memref<128xi32, #tpu.memory_space<vmem>>
      %dma_start3A_38 = arith.constant 0 : i32
      %dma_start3A_39 = arith.constant 0 : i32
      %dma_start3A_40 = tpu.memref_slice %arg4[%dma_start3A_38, %dma_start3A_39] : memref<10240x128xf32, #tpu.memory_space<hbm>> -> memref<10240x128xf32, #tpu.memory_space<hbm>>
      tpu.enqueue_indirect_dma source(%dma_start3A_40 : memref<10240x128xf32, #tpu.memory_space<hbm>>) target(%arg10 : memref<128x128xf32, #tpu.memory_space<vmem>>) offsets(%dma_start3A_37 : memref<128xi32, #tpu.memory_space<vmem>>) semaphore(%arg13 : memref<!tpu.dma_semaphore, #tpu.memory_space<semaphore_mem>>)
      %mul3A_41 = arith.constant 2 : i32
      %mul3A_42 = arith.muli %scan3A_21, %mul3A_41 : i32
      %add3A_43 = arith.constant 0 : i32
      %add3A_44 = arith.addi %mul3A_42, %add3A_43 : i32
      %dma_wait3A = arith.constant 0 : i32
      %dma_wait3A_45 = tpu.memref_slice %arg7[%add3A_25, %dma_wait3A] : memref<40x128xi32, #tpu.memory_space<vmem>> -> memref<1x128xi32, #tpu.memory_space<vmem>>
      %dma_wait3A_46 = tpu.memref_squeeze %dma_wait3A_45 : memref<1x128xi32, #tpu.memory_space<vmem>> -> memref<128xi32, #tpu.memory_space<vmem>>
      %dma_wait3A_47 = arith.constant 0 : i32
      %dma_wait3A_48 = arith.constant 0 : i32
      %dma_wait3A_49 = tpu.memref_slice %arg4[%dma_wait3A_47, %dma_wait3A_48] : memref<10240x128xf32, #tpu.memory_space<hbm>> -> memref<10240x128xf32, #tpu.memory_space<hbm>>
      tpu.wait_indirect_dma semaphore(%arg12 : memref<!tpu.dma_semaphore, #tpu.memory_space<semaphore_mem>>) src(%dma_wait3A_49 : memref<10240x128xf32, #tpu.memory_space<hbm>>) dst(%arg9 : memref<128x128xf32, #tpu.memory_space<vmem>>)
      %dma_start3A_50 = arith.constant 0 : i32
      %dma_start3A_51 = tpu.memref_slice %arg8[%add3A_44, %dma_start3A_50] : memref<40x128xi32, #tpu.memory_space<vmem>> -> memref<1x128xi32, #tpu.memory_space<vmem>>
      %dma_start3A_52 = tpu.memref_squeeze %dma_start3A_51 : memref<1x128xi32, #tpu.memory_space<vmem>> -> memref<128xi32, #tpu.memory_space<vmem>>
      %dma_start3A_53 = arith.constant 0 : i32
      %dma_start3A_54 = arith.constant 0 : i32
      %dma_start3A_55 = tpu.memref_slice %arg11[%dma_start3A_53, %dma_start3A_54] : memref<10240x128xf32, #tpu.memory_space<vmem_shared>> -> memref<10240x128xf32, #tpu.memory_space<vmem_shared>>
      tpu.enqueue_indirect_dma source(%arg9 : memref<128x128xf32, #tpu.memory_space<vmem>>) target(%dma_start3A_55 : memref<10240x128xf32, #tpu.memory_space<vmem_shared>>) offsets(%dma_start3A_52 : memref<128xi32, #tpu.memory_space<vmem>>) semaphore(%arg14 : memref<!tpu.dma_semaphore, #tpu.memory_space<semaphore_mem>>) {add = true}
      %mul3A_56 = arith.constant 2 : i32
      %mul3A_57 = arith.muli %scan3A_21, %mul3A_56 : i32
      %add3A_58 = arith.constant 1 : i32
      %add3A_59 = arith.addi %mul3A_57, %add3A_58 : i32
      %dma_wait3A_60 = arith.constant 0 : i32
      %dma_wait3A_61 = tpu.memref_slice %arg7[%add3A_34, %dma_wait3A_60] : memref<40x128xi32, #tpu.memory_space<vmem>> -> memref<1x128xi32, #tpu.memory_space<vmem>>
      %dma_wait3A_62 = tpu.memref_squeeze %dma_wait3A_61 : memref<1x128xi32, #tpu.memory_space<vmem>> -> memref<128xi32, #tpu.memory_space<vmem>>
      %dma_wait3A_63 = arith.constant 0 : i32
      %dma_wait3A_64 = arith.constant 0 : i32
      %dma_wait3A_65 = tpu.memref_slice %arg4[%dma_wait3A_63, %dma_wait3A_64] : memref<10240x128xf32, #tpu.memory_space<hbm>> -> memref<10240x128xf32, #tpu.memory_space<hbm>>
      tpu.wait_indirect_dma semaphore(%arg13 : memref<!tpu.dma_semaphore, #tpu.memory_space<semaphore_mem>>) src(%dma_wait3A_65 : memref<10240x128xf32, #tpu.memory_space<hbm>>) dst(%arg10 : memref<128x128xf32, #tpu.memory_space<vmem>>)
      %dma_start3A_66 = arith.constant 0 : i32
      %dma_start3A_67 = tpu.memref_slice %arg8[%add3A_59, %dma_start3A_66] : memref<40x128xi32, #tpu.memory_space<vmem>> -> memref<1x128xi32, #tpu.memory_space<vmem>>
      %dma_start3A_68 = tpu.memref_squeeze %dma_start3A_67 : memref<1x128xi32, #tpu.memory_space<vmem>> -> memref<128xi32, #tpu.memory_space<vmem>>
      %dma_start3A_69 = arith.constant 0 : i32
      %dma_start3A_70 = arith.constant 0 : i32
      %dma_start3A_71 = tpu.memref_slice %arg11[%dma_start3A_69, %dma_start3A_70] : memref<10240x128xf32, #tpu.memory_space<vmem_shared>> -> memref<10240x128xf32, #tpu.memory_space<vmem_shared>>
      tpu.enqueue_indirect_dma source(%arg10 : memref<128x128xf32, #tpu.memory_space<vmem>>) target(%dma_start3A_71 : memref<10240x128xf32, #tpu.memory_space<vmem_shared>>) offsets(%dma_start3A_68 : memref<128xi32, #tpu.memory_space<vmem>>) semaphore(%arg15 : memref<!tpu.dma_semaphore, #tpu.memory_space<semaphore_mem>>) {add = true}
      %dma_wait3A_72 = arith.constant 0 : i32
      %dma_wait3A_73 = tpu.memref_slice %arg8[%add3A_44, %dma_wait3A_72] : memref<40x128xi32, #tpu.memory_space<vmem>> -> memref<1x128xi32, #tpu.memory_space<vmem>>
      %dma_wait3A_74 = tpu.memref_squeeze %dma_wait3A_73 : memref<1x128xi32, #tpu.memory_space<vmem>> -> memref<128xi32, #tpu.memory_space<vmem>>
      %dma_wait3A_75 = arith.constant 0 : i32
      %dma_wait3A_76 = arith.constant 0 : i32
      %dma_wait3A_77 = tpu.memref_slice %arg11[%dma_wait3A_75, %dma_wait3A_76] : memref<10240x128xf32, #tpu.memory_space<vmem_shared>> -> memref<10240x128xf32, #tpu.memory_space<vmem_shared>>
      tpu.wait_indirect_dma semaphore(%arg14 : memref<!tpu.dma_semaphore, #tpu.memory_space<semaphore_mem>>) src(%arg9 : memref<128x128xf32, #tpu.memory_space<vmem>>) dst(%dma_wait3A_77 : memref<10240x128xf32, #tpu.memory_space<vmem_shared>>)
      %dma_wait3A_78 = arith.constant 0 : i32
      %dma_wait3A_79 = tpu.memref_slice %arg8[%add3A_59, %dma_wait3A_78] : memref<40x128xi32, #tpu.memory_space<vmem>> -> memref<1x128xi32, #tpu.memory_space<vmem>>
      %dma_wait3A_80 = tpu.memref_squeeze %dma_wait3A_79 : memref<1x128xi32, #tpu.memory_space<vmem>> -> memref<128xi32, #tpu.memory_space<vmem>>
      %dma_wait3A_81 = arith.constant 0 : i32
      %dma_wait3A_82 = arith.constant 0 : i32
      %dma_wait3A_83 = tpu.memref_slice %arg11[%dma_wait3A_81, %dma_wait3A_82] : memref<10240x128xf32, #tpu.memory_space<vmem_shared>> -> memref<10240x128xf32, #tpu.memory_space<vmem_shared>>
      tpu.wait_indirect_dma semaphore(%arg15 : memref<!tpu.dma_semaphore, #tpu.memory_space<semaphore_mem>>) src(%arg10 : memref<128x128xf32, #tpu.memory_space<vmem>>) dst(%dma_wait3A_83 : memref<10240x128xf32, #tpu.memory_space<vmem_shared>>)
    }
    %scan3A_9 = arith.constant 20 : i32
    "tpu.region"() ({
      %run_scoped3A = tpu.sem_alloc : memref<!tpu.dma_semaphore, #tpu.memory_space<semaphore_mem>>
      %dma_start3A = arith.constant 40 : i32
      %dma_start3A_21 = arith.constant 0 : i32
      %dma_start3A_22 = tpu.memref_slice %arg2[%add3A, %dma_start3A, %dma_start3A_21] : memref<32x80x128xi32, #tpu.memory_space<hbm>> -> memref<1x40x128xi32, #tpu.memory_space<hbm>>
      %dma_start3A_23 = tpu.memref_squeeze %dma_start3A_22 : memref<1x40x128xi32, #tpu.memory_space<hbm>> -> memref<40x128xi32, #tpu.memory_space<hbm>>
      %dma_start3A_24 = arith.constant 40 : i32
      %dma_start3A_25 = arith.constant 0 : i32
      %dma_start3A_26 = tpu.memref_slice %arg2[%add3A, %dma_start3A_24, %dma_start3A_25] : memref<32x80x128xi32, #tpu.memory_space<hbm>> -> memref<1x40x128xi32, #tpu.memory_space<hbm>>
      %dma_start3A_27 = tpu.memref_squeeze %dma_start3A_26 : memref<1x40x128xi32, #tpu.memory_space<hbm>> -> memref<40x128xi32, #tpu.memory_space<hbm>>
      tpu.enqueue_dma source(%dma_start3A_27 : memref<40x128xi32, #tpu.memory_space<hbm>>) target(%arg7 : memref<40x128xi32, #tpu.memory_space<vmem>>) target_semaphore(%run_scoped3A : memref<!tpu.dma_semaphore, #tpu.memory_space<semaphore_mem>>)
      %dma_wait3A = arith.constant 40 : i32
      %dma_wait3A_28 = arith.constant 0 : i32
      %dma_wait3A_29 = tpu.memref_slice %arg2[%add3A, %dma_wait3A, %dma_wait3A_28] : memref<32x80x128xi32, #tpu.memory_space<hbm>> -> memref<1x40x128xi32, #tpu.memory_space<hbm>>
      %dma_wait3A_30 = tpu.memref_squeeze %dma_wait3A_29 : memref<1x40x128xi32, #tpu.memory_space<hbm>> -> memref<40x128xi32, #tpu.memory_space<hbm>>
      %dma_wait3A_31 = arith.constant 40 : i32
      %dma_wait3A_32 = arith.constant 0 : i32
      %dma_wait3A_33 = tpu.memref_slice %arg2[%add3A, %dma_wait3A_31, %dma_wait3A_32] : memref<32x80x128xi32, #tpu.memory_space<hbm>> -> memref<1x40x128xi32, #tpu.memory_space<hbm>>
      %dma_wait3A_34 = tpu.memref_squeeze %dma_wait3A_33 : memref<1x40x128xi32, #tpu.memory_space<hbm>> -> memref<40x128xi32, #tpu.memory_space<hbm>>
      tpu.wait_dma2 semaphore(%run_scoped3A : memref<!tpu.dma_semaphore, #tpu.memory_space<semaphore_mem>>) src(%dma_wait3A_34 : memref<40x128xi32, #tpu.memory_space<hbm>>) dst(%arg7 : memref<40x128xi32, #tpu.memory_space<vmem>>)
      tpu.yield
    }) : () -> ()
    "tpu.region"() ({
      %run_scoped3A = tpu.sem_alloc : memref<!tpu.dma_semaphore, #tpu.memory_space<semaphore_mem>>
      %dma_start3A = arith.constant 40 : i32
      %dma_start3A_21 = arith.constant 0 : i32
      %dma_start3A_22 = tpu.memref_slice %arg3[%add3A, %dma_start3A, %dma_start3A_21] : memref<32x80x128xi32, #tpu.memory_space<hbm>> -> memref<1x40x128xi32, #tpu.memory_space<hbm>>
      %dma_start3A_23 = tpu.memref_squeeze %dma_start3A_22 : memref<1x40x128xi32, #tpu.memory_space<hbm>> -> memref<40x128xi32, #tpu.memory_space<hbm>>
      %dma_start3A_24 = arith.constant 40 : i32
      %dma_start3A_25 = arith.constant 0 : i32
      %dma_start3A_26 = tpu.memref_slice %arg3[%add3A, %dma_start3A_24, %dma_start3A_25] : memref<32x80x128xi32, #tpu.memory_space<hbm>> -> memref<1x40x128xi32, #tpu.memory_space<hbm>>
      %dma_start3A_27 = tpu.memref_squeeze %dma_start3A_26 : memref<1x40x128xi32, #tpu.memory_space<hbm>> -> memref<40x128xi32, #tpu.memory_space<hbm>>
      tpu.enqueue_dma source(%dma_start3A_27 : memref<40x128xi32, #tpu.memory_space<hbm>>) target(%arg8 : memref<40x128xi32, #tpu.memory_space<vmem>>) target_semaphore(%run_scoped3A : memref<!tpu.dma_semaphore, #tpu.memory_space<semaphore_mem>>)
      %dma_wait3A = arith.constant 40 : i32
      %dma_wait3A_28 = arith.constant 0 : i32
      %dma_wait3A_29 = tpu.memref_slice %arg3[%add3A, %dma_wait3A, %dma_wait3A_28] : memref<32x80x128xi32, #tpu.memory_space<hbm>> -> memref<1x40x128xi32, #tpu.memory_space<hbm>>
      %dma_wait3A_30 = tpu.memref_squeeze %dma_wait3A_29 : memref<1x40x128xi32, #tpu.memory_space<hbm>> -> memref<40x128xi32, #tpu.memory_space<hbm>>
      %dma_wait3A_31 = arith.constant 40 : i32
      %dma_wait3A_32 = arith.constant 0 : i32
      %dma_wait3A_33 = tpu.memref_slice %arg3[%add3A, %dma_wait3A_31, %dma_wait3A_32] : memref<32x80x128xi32, #tpu.memory_space<hbm>> -> memref<1x40x128xi32, #tpu.memory_space<hbm>>
      %dma_wait3A_34 = tpu.memref_squeeze %dma_wait3A_33 : memref<1x40x128xi32, #tpu.memory_space<hbm>> -> memref<40x128xi32, #tpu.memory_space<hbm>>
      tpu.wait_dma2 semaphore(%run_scoped3A : memref<!tpu.dma_semaphore, #tpu.memory_space<semaphore_mem>>) src(%dma_wait3A_34 : memref<40x128xi32, #tpu.memory_space<hbm>>) dst(%arg8 : memref<40x128xi32, #tpu.memory_space<vmem>>)
      tpu.yield
    }) : () -> ()
    %scan3A_10 = arith.constant 0 : i32
    %scan3A_11 = arith.constant 0 : i32
    %scan3A_12 = arith.constant 20 : i32
    %scan3A_13 = arith.addi %scan3A_11, %scan3A_12 : i32
    %scan3A_14 = arith.constant 1 : i32
    scf.for %scan3A_21 = %scan3A_11 to %scan3A_13 step %scan3A_14  : i32 {
      %mul3A_22 = arith.constant 2 : i32
      %mul3A_23 = arith.muli %scan3A_21, %mul3A_22 : i32
      %add3A_24 = arith.constant 0 : i32
      %add3A_25 = arith.addi %mul3A_23, %add3A_24 : i32
      %dma_start3A = arith.constant 0 : i32
      %dma_start3A_26 = tpu.memref_slice %arg7[%add3A_25, %dma_start3A] : memref<40x128xi32, #tpu.memory_space<vmem>> -> memref<1x128xi32, #tpu.memory_space<vmem>>
      %dma_start3A_27 = tpu.memref_squeeze %dma_start3A_26 : memref<1x128xi32, #tpu.memory_space<vmem>> -> memref<128xi32, #tpu.memory_space<vmem>>
      %dma_start3A_28 = arith.constant 0 : i32
      %dma_start3A_29 = arith.constant 0 : i32
      %dma_start3A_30 = tpu.memref_slice %arg4[%dma_start3A_28, %dma_start3A_29] : memref<10240x128xf32, #tpu.memory_space<hbm>> -> memref<10240x128xf32, #tpu.memory_space<hbm>>
      tpu.enqueue_indirect_dma source(%dma_start3A_30 : memref<10240x128xf32, #tpu.memory_space<hbm>>) target(%arg9 : memref<128x128xf32, #tpu.memory_space<vmem>>) offsets(%dma_start3A_27 : memref<128xi32, #tpu.memory_space<vmem>>) semaphore(%arg12 : memref<!tpu.dma_semaphore, #tpu.memory_space<semaphore_mem>>)
      %mul3A_31 = arith.constant 2 : i32
      %mul3A_32 = arith.muli %scan3A_21, %mul3A_31 : i32
      %add3A_33 = arith.constant 1 : i32
      %add3A_34 = arith.addi %mul3A_32, %add3A_33 : i32
      %dma_start3A_35 = arith.constant 0 : i32
      %dma_start3A_36 = tpu.memref_slice %arg7[%add3A_34, %dma_start3A_35] : memref<40x128xi32, #tpu.memory_space<vmem>> -> memref<1x128xi32, #tpu.memory_space<vmem>>
      %dma_start3A_37 = tpu.memref_squeeze %dma_start3A_36 : memref<1x128xi32, #tpu.memory_space<vmem>> -> memref<128xi32, #tpu.memory_space<vmem>>
      %dma_start3A_38 = arith.constant 0 : i32
      %dma_start3A_39 = arith.constant 0 : i32
      %dma_start3A_40 = tpu.memref_slice %arg4[%dma_start3A_38, %dma_start3A_39] : memref<10240x128xf32, #tpu.memory_space<hbm>> -> memref<10240x128xf32, #tpu.memory_space<hbm>>
      tpu.enqueue_indirect_dma source(%dma_start3A_40 : memref<10240x128xf32, #tpu.memory_space<hbm>>) target(%arg10 : memref<128x128xf32, #tpu.memory_space<vmem>>) offsets(%dma_start3A_37 : memref<128xi32, #tpu.memory_space<vmem>>) semaphore(%arg13 : memref<!tpu.dma_semaphore, #tpu.memory_space<semaphore_mem>>)
      %mul3A_41 = arith.constant 2 : i32
      %mul3A_42 = arith.muli %scan3A_21, %mul3A_41 : i32
      %add3A_43 = arith.constant 0 : i32
      %add3A_44 = arith.addi %mul3A_42, %add3A_43 : i32
      %dma_wait3A = arith.constant 0 : i32
      %dma_wait3A_45 = tpu.memref_slice %arg7[%add3A_25, %dma_wait3A] : memref<40x128xi32, #tpu.memory_space<vmem>> -> memref<1x128xi32, #tpu.memory_space<vmem>>
      %dma_wait3A_46 = tpu.memref_squeeze %dma_wait3A_45 : memref<1x128xi32, #tpu.memory_space<vmem>> -> memref<128xi32, #tpu.memory_space<vmem>>
      %dma_wait3A_47 = arith.constant 0 : i32
      %dma_wait3A_48 = arith.constant 0 : i32
      %dma_wait3A_49 = tpu.memref_slice %arg4[%dma_wait3A_47, %dma_wait3A_48] : memref<10240x128xf32, #tpu.memory_space<hbm>> -> memref<10240x128xf32, #tpu.memory_space<hbm>>
      tpu.wait_indirect_dma semaphore(%arg12 : memref<!tpu.dma_semaphore, #tpu.memory_space<semaphore_mem>>) src(%dma_wait3A_49 : memref<10240x128xf32, #tpu.memory_space<hbm>>) dst(%arg9 : memref<128x128xf32, #tpu.memory_space<vmem>>)
      %dma_start3A_50 = arith.constant 0 : i32
      %dma_start3A_51 = tpu.memref_slice %arg8[%add3A_44, %dma_start3A_50] : memref<40x128xi32, #tpu.memory_space<vmem>> -> memref<1x128xi32, #tpu.memory_space<vmem>>
      %dma_start3A_52 = tpu.memref_squeeze %dma_start3A_51 : memref<1x128xi32, #tpu.memory_space<vmem>> -> memref<128xi32, #tpu.memory_space<vmem>>
      %dma_start3A_53 = arith.constant 0 : i32
      %dma_start3A_54 = arith.constant 0 : i32
      %dma_start3A_55 = tpu.memref_slice %arg11[%dma_start3A_53, %dma_start3A_54] : memref<10240x128xf32, #tpu.memory_space<vmem_shared>> -> memref<10240x128xf32, #tpu.memory_space<vmem_shared>>
      tpu.enqueue_indirect_dma source(%arg9 : memref<128x128xf32, #tpu.memory_space<vmem>>) target(%dma_start3A_55 : memref<10240x128xf32, #tpu.memory_space<vmem_shared>>) offsets(%dma_start3A_52 : memref<128xi32, #tpu.memory_space<vmem>>) semaphore(%arg14 : memref<!tpu.dma_semaphore, #tpu.memory_space<semaphore_mem>>) {add = true}
      %mul3A_56 = arith.constant 2 : i32
      %mul3A_57 = arith.muli %scan3A_21, %mul3A_56 : i32
      %add3A_58 = arith.constant 1 : i32
      %add3A_59 = arith.addi %mul3A_57, %add3A_58 : i32
      %dma_wait3A_60 = arith.constant 0 : i32
      %dma_wait3A_61 = tpu.memref_slice %arg7[%add3A_34, %dma_wait3A_60] : memref<40x128xi32, #tpu.memory_space<vmem>> -> memref<1x128xi32, #tpu.memory_space<vmem>>
      %dma_wait3A_62 = tpu.memref_squeeze %dma_wait3A_61 : memref<1x128xi32, #tpu.memory_space<vmem>> -> memref<128xi32, #tpu.memory_space<vmem>>
      %dma_wait3A_63 = arith.constant 0 : i32
      %dma_wait3A_64 = arith.constant 0 : i32
      %dma_wait3A_65 = tpu.memref_slice %arg4[%dma_wait3A_63, %dma_wait3A_64] : memref<10240x128xf32, #tpu.memory_space<hbm>> -> memref<10240x128xf32, #tpu.memory_space<hbm>>
      tpu.wait_indirect_dma semaphore(%arg13 : memref<!tpu.dma_semaphore, #tpu.memory_space<semaphore_mem>>) src(%dma_wait3A_65 : memref<10240x128xf32, #tpu.memory_space<hbm>>) dst(%arg10 : memref<128x128xf32, #tpu.memory_space<vmem>>)
      %dma_start3A_66 = arith.constant 0 : i32
      %dma_start3A_67 = tpu.memref_slice %arg8[%add3A_59, %dma_start3A_66] : memref<40x128xi32, #tpu.memory_space<vmem>> -> memref<1x128xi32, #tpu.memory_space<vmem>>
      %dma_start3A_68 = tpu.memref_squeeze %dma_start3A_67 : memref<1x128xi32, #tpu.memory_space<vmem>> -> memref<128xi32, #tpu.memory_space<vmem>>
      %dma_start3A_69 = arith.constant 0 : i32
      %dma_start3A_70 = arith.constant 0 : i32
      %dma_start3A_71 = tpu.memref_slice %arg11[%dma_start3A_69, %dma_start3A_70] : memref<10240x128xf32, #tpu.memory_space<vmem_shared>> -> memref<10240x128xf32, #tpu.memory_space<vmem_shared>>
      tpu.enqueue_indirect_dma source(%arg10 : memref<128x128xf32, #tpu.memory_space<vmem>>) target(%dma_start3A_71 : memref<10240x128xf32, #tpu.memory_space<vmem_shared>>) offsets(%dma_start3A_68 : memref<128xi32, #tpu.memory_space<vmem>>) semaphore(%arg15 : memref<!tpu.dma_semaphore, #tpu.memory_space<semaphore_mem>>) {add = true}
      %dma_wait3A_72 = arith.constant 0 : i32
      %dma_wait3A_73 = tpu.memref_slice %arg8[%add3A_44, %dma_wait3A_72] : memref<40x128xi32, #tpu.memory_space<vmem>> -> memref<1x128xi32, #tpu.memory_space<vmem>>
      %dma_wait3A_74 = tpu.memref_squeeze %dma_wait3A_73 : memref<1x128xi32, #tpu.memory_space<vmem>> -> memref<128xi32, #tpu.memory_space<vmem>>
      %dma_wait3A_75 = arith.constant 0 : i32
      %dma_wait3A_76 = arith.constant 0 : i32
      %dma_wait3A_77 = tpu.memref_slice %arg11[%dma_wait3A_75, %dma_wait3A_76] : memref<10240x128xf32, #tpu.memory_space<vmem_shared>> -> memref<10240x128xf32, #tpu.memory_space<vmem_shared>>
      tpu.wait_indirect_dma semaphore(%arg14 : memref<!tpu.dma_semaphore, #tpu.memory_space<semaphore_mem>>) src(%arg9 : memref<128x128xf32, #tpu.memory_space<vmem>>) dst(%dma_wait3A_77 : memref<10240x128xf32, #tpu.memory_space<vmem_shared>>)
      %dma_wait3A_78 = arith.constant 0 : i32
      %dma_wait3A_79 = tpu.memref_slice %arg8[%add3A_59, %dma_wait3A_78] : memref<40x128xi32, #tpu.memory_space<vmem>> -> memref<1x128xi32, #tpu.memory_space<vmem>>
      %dma_wait3A_80 = tpu.memref_squeeze %dma_wait3A_79 : memref<1x128xi32, #tpu.memory_space<vmem>> -> memref<128xi32, #tpu.memory_space<vmem>>
      %dma_wait3A_81 = arith.constant 0 : i32
      %dma_wait3A_82 = arith.constant 0 : i32
      %dma_wait3A_83 = tpu.memref_slice %arg11[%dma_wait3A_81, %dma_wait3A_82] : memref<10240x128xf32, #tpu.memory_space<vmem_shared>> -> memref<10240x128xf32, #tpu.memory_space<vmem_shared>>
      tpu.wait_indirect_dma semaphore(%arg15 : memref<!tpu.dma_semaphore, #tpu.memory_space<semaphore_mem>>) src(%arg10 : memref<128x128xf32, #tpu.memory_space<vmem>>) dst(%dma_wait3A_83 : memref<10240x128xf32, #tpu.memory_space<vmem_shared>>)
    }
    %scan3A_15 = arith.constant 20 : i32
    %barrier3A_16 = arith.constant 0 : index
    tpu.barrier barrier_id(%barrier3A_16)
    %mul3A_17 = arith.constant 640 : i32
    %mul3A_18 = arith.muli %arg1, %mul3A_17 : i32
    %mul3A_19 = arith.constant 640 : i32
    %mul3A_20 = arith.muli %arg1, %mul3A_19 : i32
    "tpu.region"() ({
      %run_scoped3A = tpu.sem_alloc : memref<!tpu.dma_semaphore, #tpu.memory_space<semaphore_mem>>
      %dma_start3A = arith.constant 0 : i32
      %dma_start3A_21 = tpu.memref_slice %arg6[%arg0, %mul3A_20, %dma_start3A] : memref<2x10240x128xf32, #tpu.memory_space<hbm>> -> memref<1x640x128xf32, #tpu.memory_space<hbm>>
      %dma_start3A_22 = tpu.memref_squeeze %dma_start3A_21 : memref<1x640x128xf32, #tpu.memory_space<hbm>> -> memref<640x128xf32, #tpu.memory_space<hbm>>
      %dma_start3A_23 = arith.constant 0 : i32
      %dma_start3A_24 = tpu.memref_slice %arg11[%mul3A_18, %dma_start3A_23] : memref<10240x128xf32, #tpu.memory_space<vmem_shared>> -> memref<640x128xf32, #tpu.memory_space<vmem_shared>>
      tpu.enqueue_dma source(%dma_start3A_24 : memref<640x128xf32, #tpu.memory_space<vmem_shared>>) target(%dma_start3A_22 : memref<640x128xf32, #tpu.memory_space<hbm>>) target_semaphore(%run_scoped3A : memref<!tpu.dma_semaphore, #tpu.memory_space<semaphore_mem>>)
      %dma_wait3A = arith.constant 0 : i32
      %dma_wait3A_25 = tpu.memref_slice %arg6[%arg0, %mul3A_20, %dma_wait3A] : memref<2x10240x128xf32, #tpu.memory_space<hbm>> -> memref<1x640x128xf32, #tpu.memory_space<hbm>>
      %dma_wait3A_26 = tpu.memref_squeeze %dma_wait3A_25 : memref<1x640x128xf32, #tpu.memory_space<hbm>> -> memref<640x128xf32, #tpu.memory_space<hbm>>
      %dma_wait3A_27 = arith.constant 0 : i32
      %dma_wait3A_28 = tpu.memref_slice %arg11[%mul3A_18, %dma_wait3A_27] : memref<10240x128xf32, #tpu.memory_space<vmem_shared>> -> memref<640x128xf32, #tpu.memory_space<vmem_shared>>
      tpu.wait_dma2 semaphore(%run_scoped3A : memref<!tpu.dma_semaphore, #tpu.memory_space<semaphore_mem>>) src(%dma_wait3A_28 : memref<640x128xf32, #tpu.memory_space<vmem_shared>>) dst(%dma_wait3A_26 : memref<640x128xf32, #tpu.memory_space<hbm>>)
      tpu.yield
    }) : () -> ()
    return
  }
}

module attributes {stable_mosaic.version = 14 : i64} {
  func.func @_tc_a_body(%arg0: i32, %arg1: memref<256x128xf32, #tpu.memory_space<vmem>>, %arg2: memref<128x128xf32, #tpu.memory_space<vmem>>, %arg3: memref<2x256x16xf32, #tpu.memory_space<vmem>>, %arg4: memref<256x128xf32, #tpu.memory_space<vmem>>) attributes {dimension_semantics = [#tpu.dimension_semantics<arbitrary>], iteration_bounds = array<i64: 40>, scalar_prefetch = 0 : i64, scratch_operands = 0 : i64, tpu.core_type = #tpu.core_type<tc>, window_params = [{transform_indices = @transform_0, window_bounds = array<i64: 256, 128>}, {pipeline_mode = #tpu.pipeline_mode<synchronous>, transform_indices = @transform_1, window_bounds = array<i64: 128, 128>}, {transform_indices = @transform_2, window_bounds = array<i64: 2, 256, 16>}, {transform_indices = @transform_3, window_bounds = array<i64: 256, 128>}]} {
    %get3A = arith.constant 0 : index
    %get3A_0 = arith.constant 0 : index
    %get3A_1 = arith.constant 0 : index
    %get3A_2 = vector.load %arg3[%get3A, %get3A_0, %get3A_1] : memref<2x256x16xf32, #tpu.memory_space<vmem>>, vector<1x256x1xf32>
    %get3A_3 = vector.shape_cast %get3A_2 : vector<1x256x1xf32> to vector<256x1xf32>
    %get3A_4 = arith.constant 1 : index
    %get3A_5 = arith.constant 0 : index
    %get3A_6 = arith.constant 0 : index
    %get3A_7 = vector.load %arg3[%get3A_4, %get3A_5, %get3A_6] : memref<2x256x16xf32, #tpu.memory_space<vmem>>, vector<1x256x1xf32>
    %get3A_8 = vector.shape_cast %get3A_7 : vector<1x256x1xf32> to vector<256x1xf32>
    %add3A = arith.addf %get3A_3, %get3A_8 : vector<256x1xf32>
    %add3A_9 = arith.constant 1.000000e+00 : f32
    %add3A_10 = vector.broadcast %add3A_9 : f32 to vector<256x1xf32>
    %add3A_11 = arith.addf %add3A, %add3A_10 : vector<256x1xf32>
    %rsqrt3A = math.rsqrt %add3A_11 : vector<256x1xf32>
    %get3A_12 = arith.constant 0 : index
    %get3A_13 = arith.constant 0 : index
    %get3A_14 = vector.load %arg1[%get3A_12, %get3A_13] : memref<256x128xf32, #tpu.memory_space<vmem>>, vector<256x128xf32>
    %get3A_15 = arith.constant 0 : index
    %get3A_16 = arith.constant 0 : index
    %get3A_17 = vector.load %arg2[%get3A_15, %get3A_16] : memref<128x128xf32, #tpu.memory_space<vmem>>, vector<128x128xf32>
    %dot_general3A = arith.constant dense<0.000000e+00> : vector<256x128xf32>
    %dot_general3A_18 = tpu.matmul %get3A_14, %get3A_17, %dot_general3A {dimension_numbers = #tpu.dot_dimension_numbers<[1], [0], [0], [1], [0, 0, 1, 1], [], []>, transpose_lhs_hint = false} : vector<256x128xf32>, vector<128x128xf32>, vector<256x128xf32> -> vector<256x128xf32>
    %mul3A = vector.broadcast %rsqrt3A : vector<256x1xf32> to vector<256x128xf32>
    %mul3A_19 = arith.mulf %dot_general3A_18, %mul3A : vector<256x128xf32>
    %swap3A = arith.constant 0 : index
    %swap3A_20 = arith.constant 0 : index
    %swap3A_21 = vector.load %arg4[%swap3A, %swap3A_20] : memref<256x128xf32, #tpu.memory_space<vmem>>, vector<256x128xf32>
    tpu.vector_store %arg4[%swap3A, %swap3A_20], %mul3A_19 {strides = array<i32>} : memref<256x128xf32, #tpu.memory_space<vmem>>, vector<256x128xf32>,
    return
  }
  func.func @transform_0(%arg0: i32) -> (i32, i32) {
    %c0_i32 = arith.constant 0 : i32
    %c0_i32_0 = arith.constant 0 : i32
    return %arg0, %c0_i32 : i32, i32
  }
  func.func @transform_1(%arg0: i32) -> (i32, i32) {
    %c0_i32 = arith.constant 0 : i32
    %c0_i32_0 = arith.constant 0 : i32
    %c0_i32_1 = arith.constant 0 : i32
    return %c0_i32, %c0_i32_0 : i32, i32
  }
  func.func @transform_2(%arg0: i32) -> (i32, i32, i32) {
    %c0_i32 = arith.constant 0 : i32
    %c0_i32_0 = arith.constant 0 : i32
    %c0_i32_1 = arith.constant 0 : i32
    return %c0_i32, %arg0, %c0_i32_0 : i32, i32, i32
  }
  func.func @transform_3(%arg0: i32) -> (i32, i32) {
    %c0_i32 = arith.constant 0 : i32
    %c0_i32_0 = arith.constant 0 : i32
    return %arg0, %c0_i32 : i32, i32
  }
}

module attributes {stable_mosaic.version = 14 : i64} {
  func.func @_tc_c_body(%arg0: i32, %arg1: memref<2x256x128xf32, #tpu.memory_space<vmem>>, %arg2: memref<256x128xf32, #tpu.memory_space<vmem>>, %arg3: memref<2x256x16xf32, #tpu.memory_space<vmem>>, %arg4: memref<1x128xf32, #tpu.memory_space<vmem>>, %arg5: memref<128x128xf32, #tpu.memory_space<vmem>>, %arg6: memref<1x128xf32, #tpu.memory_space<vmem>>, %arg7: memref<256x128xf32, #tpu.memory_space<vmem>>) attributes {dimension_semantics = [#tpu.dimension_semantics<arbitrary>], iteration_bounds = array<i64: 40>, scalar_prefetch = 0 : i64, scratch_operands = 0 : i64, tpu.core_type = #tpu.core_type<tc>, window_params = [{transform_indices = @transform_0, window_bounds = array<i64: 2, 256, 128>}, {transform_indices = @transform_1, window_bounds = array<i64: 256, 128>}, {transform_indices = @transform_2, window_bounds = array<i64: 2, 256, 16>}, {pipeline_mode = #tpu.pipeline_mode<synchronous>, transform_indices = @transform_3, window_bounds = array<i64: 1, 128>}, {pipeline_mode = #tpu.pipeline_mode<synchronous>, transform_indices = @transform_4, window_bounds = array<i64: 128, 128>}, {pipeline_mode = #tpu.pipeline_mode<synchronous>, transform_indices = @transform_5, window_bounds = array<i64: 1, 128>}, {transform_indices = @transform_6, window_bounds = array<i64: 256, 128>}]} {
    %get3A = arith.constant 0 : index
    %get3A_0 = arith.constant 0 : index
    %get3A_1 = arith.constant 0 : index
    %get3A_2 = vector.load %arg3[%get3A, %get3A_0, %get3A_1] : memref<2x256x16xf32, #tpu.memory_space<vmem>>, vector<1x256x1xf32>
    %get3A_3 = vector.shape_cast %get3A_2 : vector<1x256x1xf32> to vector<256x1xf32>
    %get3A_4 = arith.constant 1 : index
    %get3A_5 = arith.constant 0 : index
    %get3A_6 = arith.constant 0 : index
    %get3A_7 = vector.load %arg3[%get3A_4, %get3A_5, %get3A_6] : memref<2x256x16xf32, #tpu.memory_space<vmem>>, vector<1x256x1xf32>
    %get3A_8 = vector.shape_cast %get3A_7 : vector<1x256x1xf32> to vector<256x1xf32>
    %add3A = arith.addf %get3A_3, %get3A_8 : vector<256x1xf32>
    %add3A_9 = arith.constant 1.000000e+00 : f32
    %add3A_10 = vector.broadcast %add3A_9 : f32 to vector<256x1xf32>
    %add3A_11 = arith.addf %add3A, %add3A_10 : vector<256x1xf32>
    %rsqrt3A = math.rsqrt %add3A_11 : vector<256x1xf32>
    %get3A_12 = arith.constant 0 : index
    %get3A_13 = arith.constant 0 : index
    %get3A_14 = arith.constant 0 : index
    %get3A_15 = vector.load %arg1[%get3A_12, %get3A_13, %get3A_14] : memref<2x256x128xf32, #tpu.memory_space<vmem>>, vector<1x256x128xf32>
    %get3A_16 = vector.shape_cast %get3A_15 : vector<1x256x128xf32> to vector<256x128xf32>
    %get3A_17 = arith.constant 1 : index
    %get3A_18 = arith.constant 0 : index
    %get3A_19 = arith.constant 0 : index
    %get3A_20 = vector.load %arg1[%get3A_17, %get3A_18, %get3A_19] : memref<2x256x128xf32, #tpu.memory_space<vmem>>, vector<1x256x128xf32>
    %get3A_21 = vector.shape_cast %get3A_20 : vector<1x256x128xf32> to vector<256x128xf32>
    %add3A_22 = arith.addf %get3A_16, %get3A_21 : vector<256x128xf32>
    %get3A_23 = arith.constant 0 : index
    %get3A_24 = arith.constant 0 : index
    %get3A_25 = vector.load %arg2[%get3A_23, %get3A_24] : memref<256x128xf32, #tpu.memory_space<vmem>>, vector<256x128xf32>
    %add3A_26 = arith.addf %add3A_22, %get3A_25 : vector<256x128xf32>
    %mul3A = vector.broadcast %rsqrt3A : vector<256x1xf32> to vector<256x128xf32>
    %mul3A_27 = arith.mulf %add3A_26, %mul3A : vector<256x128xf32>
    %get3A_28 = arith.constant 0 : index
    %get3A_29 = arith.constant 0 : index
    %get3A_30 = vector.load %arg4[%get3A_28, %get3A_29] : memref<1x128xf32, #tpu.memory_space<vmem>>, vector<1x128xf32>
    %add3A_31 = vector.broadcast %get3A_30 : vector<1x128xf32> to vector<256x128xf32>
    %add3A_32 = arith.addf %mul3A_27, %add3A_31 : vector<256x128xf32>
    %max3A = arith.constant 0.000000e+00 : f32
    %max3A_33 = vector.broadcast %max3A : f32 to vector<256x128xf32>
    %max3A_34 = arith.maximumf %add3A_32, %max3A_33 : vector<256x128xf32>
    %get3A_35 = arith.constant 0 : index
    %get3A_36 = arith.constant 0 : index
    %get3A_37 = vector.load %arg5[%get3A_35, %get3A_36] : memref<128x128xf32, #tpu.memory_space<vmem>>, vector<128x128xf32>
    %dot_general3A = arith.constant dense<0.000000e+00> : vector<256x128xf32>
    %dot_general3A_38 = tpu.matmul %max3A_34, %get3A_37, %dot_general3A {dimension_numbers = #tpu.dot_dimension_numbers<[1], [0], [0], [1], [0, 0, 1, 1], [], []>, transpose_lhs_hint = false} : vector<256x128xf32>, vector<128x128xf32>, vector<256x128xf32> -> vector<256x128xf32>
    %get3A_39 = arith.constant 0 : index
    %get3A_40 = arith.constant 0 : index
    %get3A_41 = vector.load %arg6[%get3A_39, %get3A_40] : memref<1x128xf32, #tpu.memory_space<vmem>>, vector<1x128xf32>
    %add3A_42 = vector.broadcast %get3A_41 : vector<1x128xf32> to vector<256x128xf32>
    %add3A_43 = arith.addf %dot_general3A_38, %add3A_42 : vector<256x128xf32>
    %swap3A = arith.constant 0 : index
    %swap3A_44 = arith.constant 0 : index
    %swap3A_45 = vector.load %arg7[%swap3A, %swap3A_44] : memref<256x128xf32, #tpu.memory_space<vmem>>, vector<256x128xf32>
    tpu.vector_store %arg7[%swap3A, %swap3A_44], %add3A_43 {strides = array<i32>} : memref<256x128xf32, #tpu.memory_space<vmem>>, vector<256x128xf32>,
    return
  }
  func.func @transform_0(%arg0: i32) -> (i32, i32, i32) {
    %c0_i32 = arith.constant 0 : i32
    %c0_i32_0 = arith.constant 0 : i32
    %c0_i32_1 = arith.constant 0 : i32
    return %c0_i32, %arg0, %c0_i32_0 : i32, i32, i32
  }
  func.func @transform_1(%arg0: i32) -> (i32, i32) {
    %c0_i32 = arith.constant 0 : i32
    %c0_i32_0 = arith.constant 0 : i32
    return %arg0, %c0_i32 : i32, i32
  }
  func.func @transform_2(%arg0: i32) -> (i32, i32, i32) {
    %c0_i32 = arith.constant 0 : i32
    %c0_i32_0 = arith.constant 0 : i32
    %c0_i32_1 = arith.constant 0 : i32
    return %c0_i32, %arg0, %c0_i32_0 : i32, i32, i32
  }
  func.func @transform_3(%arg0: i32) -> (i32, i32) {
    %c0_i32 = arith.constant 0 : i32
    %c0_i32_0 = arith.constant 0 : i32
    %c0_i32_1 = arith.constant 0 : i32
    return %c0_i32, %c0_i32_0 : i32, i32
  }
  func.func @transform_4(%arg0: i32) -> (i32, i32) {
    %c0_i32 = arith.constant 0 : i32
    %c0_i32_0 = arith.constant 0 : i32
    %c0_i32_1 = arith.constant 0 : i32
    return %c0_i32, %c0_i32_0 : i32, i32
  }
  func.func @transform_5(%arg0: i32) -> (i32, i32) {
    %c0_i32 = arith.constant 0 : i32
    %c0_i32_0 = arith.constant 0 : i32
    %c0_i32_1 = arith.constant 0 : i32
    return %c0_i32, %c0_i32_0 : i32, i32
  }
  func.func @transform_6(%arg0: i32) -> (i32, i32) {
    %c0_i32 = arith.constant 0 : i32
    %c0_i32_0 = arith.constant 0 : i32
    return %arg0, %c0_i32 : i32, i32
  }
}

module attributes {stable_mosaic.version = 14 : i64} {
  func.func @_tc_b_body(%arg0: i32, %arg1: memref<2x256x128xf32, #tpu.memory_space<vmem>>, %arg2: memref<256x128xf32, #tpu.memory_space<vmem>>, %arg3: memref<2x256x16xf32, #tpu.memory_space<vmem>>, %arg4: memref<1x128xf32, #tpu.memory_space<vmem>>, %arg5: memref<128x128xf32, #tpu.memory_space<vmem>>, %arg6: memref<256x128xf32, #tpu.memory_space<vmem>>) attributes {dimension_semantics = [#tpu.dimension_semantics<arbitrary>], iteration_bounds = array<i64: 40>, scalar_prefetch = 0 : i64, scratch_operands = 0 : i64, tpu.core_type = #tpu.core_type<tc>, window_params = [{transform_indices = @transform_0, window_bounds = array<i64: 2, 256, 128>}, {transform_indices = @transform_1, window_bounds = array<i64: 256, 128>}, {transform_indices = @transform_2, window_bounds = array<i64: 2, 256, 16>}, {pipeline_mode = #tpu.pipeline_mode<synchronous>, transform_indices = @transform_3, window_bounds = array<i64: 1, 128>}, {pipeline_mode = #tpu.pipeline_mode<synchronous>, transform_indices = @transform_4, window_bounds = array<i64: 128, 128>}, {transform_indices = @transform_5, window_bounds = array<i64: 256, 128>}]} {
    %get3A = arith.constant 0 : index
    %get3A_0 = arith.constant 0 : index
    %get3A_1 = arith.constant 0 : index
    %get3A_2 = vector.load %arg3[%get3A, %get3A_0, %get3A_1] : memref<2x256x16xf32, #tpu.memory_space<vmem>>, vector<1x256x1xf32>
    %get3A_3 = vector.shape_cast %get3A_2 : vector<1x256x1xf32> to vector<256x1xf32>
    %get3A_4 = arith.constant 1 : index
    %get3A_5 = arith.constant 0 : index
    %get3A_6 = arith.constant 0 : index
    %get3A_7 = vector.load %arg3[%get3A_4, %get3A_5, %get3A_6] : memref<2x256x16xf32, #tpu.memory_space<vmem>>, vector<1x256x1xf32>
    %get3A_8 = vector.shape_cast %get3A_7 : vector<1x256x1xf32> to vector<256x1xf32>
    %add3A = arith.addf %get3A_3, %get3A_8 : vector<256x1xf32>
    %add3A_9 = arith.constant 1.000000e+00 : f32
    %add3A_10 = vector.broadcast %add3A_9 : f32 to vector<256x1xf32>
    %add3A_11 = arith.addf %add3A, %add3A_10 : vector<256x1xf32>
    %rsqrt3A = math.rsqrt %add3A_11 : vector<256x1xf32>
    %get3A_12 = arith.constant 0 : index
    %get3A_13 = arith.constant 0 : index
    %get3A_14 = arith.constant 0 : index
    %get3A_15 = vector.load %arg1[%get3A_12, %get3A_13, %get3A_14] : memref<2x256x128xf32, #tpu.memory_space<vmem>>, vector<1x256x128xf32>
    %get3A_16 = vector.shape_cast %get3A_15 : vector<1x256x128xf32> to vector<256x128xf32>
    %get3A_17 = arith.constant 1 : index
    %get3A_18 = arith.constant 0 : index
    %get3A_19 = arith.constant 0 : index
    %get3A_20 = vector.load %arg1[%get3A_17, %get3A_18, %get3A_19] : memref<2x256x128xf32, #tpu.memory_space<vmem>>, vector<1x256x128xf32>
    %get3A_21 = vector.shape_cast %get3A_20 : vector<1x256x128xf32> to vector<256x128xf32>
    %add3A_22 = arith.addf %get3A_16, %get3A_21 : vector<256x128xf32>
    %get3A_23 = arith.constant 0 : index
    %get3A_24 = arith.constant 0 : index
    %get3A_25 = vector.load %arg2[%get3A_23, %get3A_24] : memref<256x128xf32, #tpu.memory_space<vmem>>, vector<256x128xf32>
    %add3A_26 = arith.addf %add3A_22, %get3A_25 : vector<256x128xf32>
    %mul3A = vector.broadcast %rsqrt3A : vector<256x1xf32> to vector<256x128xf32>
    %mul3A_27 = arith.mulf %add3A_26, %mul3A : vector<256x128xf32>
    %get3A_28 = arith.constant 0 : index
    %get3A_29 = arith.constant 0 : index
    %get3A_30 = vector.load %arg4[%get3A_28, %get3A_29] : memref<1x128xf32, #tpu.memory_space<vmem>>, vector<1x128xf32>
    %add3A_31 = vector.broadcast %get3A_30 : vector<1x128xf32> to vector<256x128xf32>
    %add3A_32 = arith.addf %mul3A_27, %add3A_31 : vector<256x128xf32>
    %max3A = arith.constant 0.000000e+00 : f32
    %max3A_33 = vector.broadcast %max3A : f32 to vector<256x128xf32>
    %max3A_34 = arith.maximumf %add3A_32, %max3A_33 : vector<256x128xf32>
    %get3A_35 = arith.constant 0 : index
    %get3A_36 = arith.constant 0 : index
    %get3A_37 = vector.load %arg5[%get3A_35, %get3A_36] : memref<128x128xf32, #tpu.memory_space<vmem>>, vector<128x128xf32>
    %dot_general3A = arith.constant dense<0.000000e+00> : vector<256x128xf32>
    %dot_general3A_38 = tpu.matmul %max3A_34, %get3A_37, %dot_general3A {dimension_numbers = #tpu.dot_dimension_numbers<[1], [0], [0], [1], [0, 0, 1, 1], [], []>, transpose_lhs_hint = false} : vector<256x128xf32>, vector<128x128xf32>, vector<256x128xf32> -> vector<256x128xf32>
    %mul3A_39 = vector.broadcast %rsqrt3A : vector<256x1xf32> to vector<256x128xf32>
    %mul3A_40 = arith.mulf %dot_general3A_38, %mul3A_39 : vector<256x128xf32>
    %swap3A = arith.constant 0 : index
    %swap3A_41 = arith.constant 0 : index
    %swap3A_42 = vector.load %arg6[%swap3A, %swap3A_41] : memref<256x128xf32, #tpu.memory_space<vmem>>, vector<256x128xf32>
    tpu.vector_store %arg6[%swap3A, %swap3A_41], %mul3A_40 {strides = array<i32>} : memref<256x128xf32, #tpu.memory_space<vmem>>, vector<256x128xf32>,
    return
  }
  func.func @transform_0(%arg0: i32) -> (i32, i32, i32) {
    %c0_i32 = arith.constant 0 : i32
    %c0_i32_0 = arith.constant 0 : i32
    %c0_i32_1 = arith.constant 0 : i32
    return %c0_i32, %arg0, %c0_i32_0 : i32, i32, i32
  }
  func.func @transform_1(%arg0: i32) -> (i32, i32) {
    %c0_i32 = arith.constant 0 : i32
    %c0_i32_0 = arith.constant 0 : i32
    return %arg0, %c0_i32 : i32, i32
  }
  func.func @transform_2(%arg0: i32) -> (i32, i32, i32) {
    %c0_i32 = arith.constant 0 : i32
    %c0_i32_0 = arith.constant 0 : i32
    %c0_i32_1 = arith.constant 0 : i32
    return %c0_i32, %arg0, %c0_i32_0 : i32, i32, i32
  }
  func.func @transform_3(%arg0: i32) -> (i32, i32) {
    %c0_i32 = arith.constant 0 : i32
    %c0_i32_0 = arith.constant 0 : i32
    %c0_i32_1 = arith.constant 0 : i32
    return %c0_i32, %c0_i32_0 : i32, i32
  }
  func.func @transform_4(%arg0: i32) -> (i32, i32) {
    %c0_i32 = arith.constant 0 : i32
    %c0_i32_0 = arith.constant 0 : i32
    %c0_i32_1 = arith.constant 0 : i32
    return %c0_i32, %c0_i32_0 : i32, i32
  }
  func.func @transform_5(%arg0: i32) -> (i32, i32) {
    %c0_i32 = arith.constant 0 : i32
    %c0_i32_0 = arith.constant 0 : i32
    return %arg0, %c0_i32 : i32, i32
  }
}

</mosaic_0001>

<sc_bundles>
// kernel: _run.11.cloned.1.call-start
scs
__scs_entry_jumppad:
0x0: {  	(pc) =	sbr.rel $0x88, $3  }
0x1: {  	(tag) =	ssettag $0x0;
	lr =	simm.s32 $0x1  }
0x2: {  	[smem:$0x3F99] =	sst lr;
	_ =	strace $0xD0000000  }
0x3: {  	_ = 	snop  }
0x4: {  	_ = 	snop  }
0x5: {  	_ = 	snop  }
0x6: {  	_ = 	snop  }
0x7: {  	_ = 	snop  }
__scs_overlays_trampoline_lowered:
0x8: {  	[smem:$0x3FA8] =	sst s0  }
0x9: {  	[smem:$0x3FA9] =	sst s1  }
0xa: {  	[smem:$0x3FAA] =	sst s2  }
0xb: {  	[smem:$0x3FAB] =	sst s3  }
0xc: {  	[smem:$0x3FAC] =	sst s4  }
0xd: {  	[smem:$0x3FAD] =	sst s5  }
0xe: {  	[smem:$0x3FAE] =	sst s6  }
0xf: {  	[smem:$0x3FAF] =	sst s7  }
0x10: {  	[smem:$0x3FB0] =	sst s8  }
0x11: {  	[smem:$0x3FB1] =	sst s9;
	s0 =	simm.s32 @!p0 $0x0  }
0x12: {  	s1 =	sld [smem:$0x3F97];
	s0 =	simm.s32 @p0 $0x1  }
0x13: {  	[smem:$0x3FB2] =	sst s0;
	s0 =	simm.s32 @!p1 $0x0  }
0x14: {  	s2 =	sld [smem:$0x3F96];
	s0 =	simm.s32 @p1 $0x1  }
0x15: {  	[smem:$0x3FB3] =	sst s0;
	s0 =	simm.s32 @!p2 $0x0  }
0x16: {  	s3 =	sld [smem:$0x3FDB];
	s0 =	simm.s32 @p2 $0x1  }
0x17: {  	s4 =	simm.s32 $0x1BF5;
	[smem:$0x3FB5] =	sst s0  }
0x18: {  	s0 =	sld [smem:$0x3F98];
	_ =	swait.ge [sflag:s4], $0x0  }
0x19: {  	s7 =	sld [smem:$0x3F99]  }
0x1a: {  	s8 =	sadd.s32 $0xFFFFE003, lr  }
0x1b: {  	s9 =	sadd.s32 $0xFFFFFEF7, lr;
	s5 =	simm.s32 $0xFFFFFFFF;
	p2 =	slt.u32 s8, $0xFFFFF086  }
0x1c: {  	p1 =	slt.u32 s9, $0xF7A;
	s5 =	simm.s32 @!p2 $0x0  }
0x1d: {  	s5 =	simm.s32 @p1 $0x1;
	p0 =	seq.s32 s7, s2  }
0x1e: {  	s7 =	smul.u32 @!p0 $0xF7A, s2;
	p2 =	seq.s32 @!p0 s5, $0x0  }
0x1f: {  	s9 =	smul.u32 $0xF7A, s1;
	s8 =	simm.s32 @!p0 $0x1BF5;
	p2 =	por !p2, p0  }
0x20: {  	[sflag:s8] =	ssyncset.s32 @!p0 $0xFFFFF086;
	s6 =	sadd.s32 @!p0 s3, s7;
	s7 =	simm.s32 @!p0 $0x108  }
0x21: {  	s3 =	sadd.s32 s3, s9;
	s6 =	sadd.s32 @!p0 $0x88, s6;
	s7 =	simm.s32 @p2 $0x1082  }
0x22: {  	[simem:s7], [sflag:s8] =	dma.local @!p0 [hbm:s6], $0xF7A  }
0x23: {  	s9 =	sor.u32 $0xD0000000, s2;
	s6 =	simm.s32 $0x108;
	_ =	swait.ge @!p0 [sflag:s8], $0x0  }
0x24: {  	s3 =	sadd.s32 $0x88, s3;
	s6 =	simm.s32 @!p1 $0x1082;
	[sflag:s4] =	ssyncset.s32 $0xFFFFF086  }
0x25: {  	[simem:s6], [sflag:s4] =	dma.local [hbm:s3], $0xF7A  }
0x26: {  	[smem:$0x3F99] =	sst s1;
	(tag) =	ssettag s2;
	_ =	strace s9  }
0x27: {  	s1 =	sld [smem:$0x3FA9]  }
0x28: {  	s2 =	sld [smem:$0x3FAA]  }
0x29: {  	s4 =	sld [smem:$0x3FAC]  }
0x2a: {  	p0 =	seq.s32 s5, $0x0;
	s5 =	sld [smem:$0x3FAD]  }
0x2b: {  	s6 =	sld [smem:$0x3FAE]  }
0x2c: {  	s7 =	sld [smem:$0x3FAF]  }
0x2d: {  	s3 =	simm.s32 $0x108;
	s8 =	sld [smem:$0x3FB0]  }
0x2e: {  	s3 =	simm.s32 @!p0 $0x1082;
	s9 =	sld [smem:$0x3FB1]  }
0x2f: {  	lr =	sadd.s32 s0, s3;
	s0 =	sld [smem:$0x3FA8]  }
0x30: {  	s3 =	sld [smem:$0x3FAB]  }
0x31: {  	[smem:$0x3FB4] =	sst s10  }
0x32: {  	s10 =	sld [smem:$0x3FB2];
	_ =	sdelay $0x3  }
0x33: {  	p0 =	seq.s32 s10, $0x1;
	s10 =	sld [smem:$0x3FB4];
	_ =	sdelay $0x3  }
0x34: {  	[smem:$0x3FB4] =	sst s10  }
0x35: {  	s10 =	sld [smem:$0x3FB3];
	_ =	sdelay $0x3  }
0x36: {  	p1 =	seq.s32 s10, $0x1;
	s10 =	sld [smem:$0x3FB4];
	_ =	sdelay $0x3  }
0x37: {  	[smem:$0x3FB4] =	sst s10  }
0x38: {  	s10 =	sld [smem:$0x3FB5]  }
0x39: {  	_ = 	snop;
	(pc) =	sbr.ind lr, $3  }
0x3a: {  	_ = 	snop  }
0x3b: {  	_ = 	snop  }
0x3c: {  	p2 =	seq.s32 s10, $0x1;
	s10 =	sld [smem:$0x3FB4]  }
0x3d: {  	_ =	shalt  }
0x3e: {  	_ =	shalt  }
0x3f: {  	_ =	shalt  }
0x40: {  	_ =	shalt  }
0x41: {  	_ =	shalt  }
0x42: {  	_ =	shalt  }
0x43: {  	_ =	shalt  }
0x44: {  	_ =	shalt  }
0x45: {  	_ =	shalt  }
0x46: {  	_ =	shalt  }
0x47: {  	_ =	shalt  }
0x48: {  	_ =	shalt  }
0x49: {  	_ =	shalt  }
0x4a: {  	_ =	shalt  }
0x4b: {  	_ =	shalt  }
0x4c: {  	_ =	shalt  }
0x4d: {  	_ =	shalt  }
0x4e: {  	_ =	shalt  }
0x4f: {  	_ =	shalt  }
0x50: {  	_ =	shalt  }
0x51: {  	_ =	shalt  }
0x52: {  	_ =	shalt  }
0x53: {  	_ =	shalt  }
0x54: {  	_ =	shalt  }
0x55: {  	_ =	shalt  }
0x56: {  	_ =	shalt  }
0x57: {  	_ =	shalt  }
0x58: {  	_ =	shalt  }
0x59: {  	_ =	shalt  }
0x5a: {  	_ =	shalt  }
0x5b: {  	_ =	shalt  }
0x5c: {  	_ =	shalt  }
0x5d: {  	_ =	shalt  }
0x5e: {  	_ =	shalt  }
0x5f: {  	_ =	shalt  }
0x60: {  	_ =	shalt  }
0x61: {  	_ =	shalt  }
0x62: {  	_ =	shalt  }
0x63: {  	_ =	shalt  }
0x64: {  	_ =	shalt  }
0x65: {  	_ =	shalt  }
0x66: {  	_ =	shalt  }
0x67: {  	_ =	shalt  }
0x68: {  	_ =	shalt  }
0x69: {  	_ =	shalt  }
0x6a: {  	_ =	shalt  }
0x6b: {  	_ =	shalt  }
0x6c: {  	_ =	shalt  }
0x6d: {  	_ =	shalt  }
0x6e: {  	_ =	shalt  }
0x6f: {  	_ =	shalt  }
0x70: {  	_ =	shalt  }
0x71: {  	_ =	shalt  }
0x72: {  	_ =	shalt  }
0x73: {  	_ =	shalt  }
0x74: {  	_ =	shalt  }
0x75: {  	_ =	shalt  }
0x76: {  	_ =	shalt  }
0x77: {  	_ =	shalt  }
0x78: {  	_ =	shalt  }
0x79: {  	_ =	shalt  }
0x7a: {  	_ =	shalt  }
0x7b: {  	_ =	shalt  }
0x7c: {  	_ =	shalt  }
0x7d: {  	_ =	shalt  }
0x7e: {  	_ =	shalt  }
0x7f: {  	_ =	shalt  }
0x80: {  	_ =	shalt  }
0x81: {  	_ =	shalt  }
0x82: {  	_ =	shalt  }
0x83: {  	_ =	shalt  }
0x84: {  	_ =	shalt  }
0x85: {  	_ =	shalt  }
0x86: {  	_ =	shalt  }
0x87: {  	_ =	shalt  }
.Lfunc_end0:
.L_simem_size_0:
called_computation.1_lowered:
.L_overlay_start_0:
0x88: {  	s2 =	sld [smem:$0x3FD9]  }
0x89: {  	s3 =	sld [smem:$0x3FFE];
	_ =	sdelay $0x1  }
0x8a: {  	s1 =	srdreg.scid  }
0x8b: {  	s0 =	sand.u32 $0x1, s1  }
0x8c: {  	s17 =	sshll.u32 s0, $0xA;
	s2 =	sadd.s32 s3, s2  }
0x8d: {  	s2 =	sadd.s32 s2, s17  }
0x8e: {  	[smem:$0x3FC0] =	sst s2  }
0x8f: {  	_ = 	snop  }
0x90: {  	s2 =	sld [smem:$0x3FD0];
	(tm) =	ssettm $0x1  }
0x91: {  	s18 =	sld [smem:$0x3FFB];
	_ =	sdelay $0x3  }
0x92: {  	_ =	strace s18  }
0x93: {  	s3 =	sld [smem:$0x3FFC];
	_ =	sdelay $0x3  }
0x94: {  	_ =	strace s3  }
0x95: {  	s3 =	sld [smem:$0x3FFD];
	_ =	sdelay $0x3  }
0x96: {  	_ =	strace s3  }
0x97: {  	_ =	strace $0x8FFFFFFF  }
0x98: {  	s19 =	sld [smem:$0x3FDB];
	_ =	sdelay $0x1  }
0x99: {  	s4 =	simm.s32 $_scs_section_size  }
0x9a: {  	s5 =	simm.s32 $_size__tile_overlayer_lowered;
	s6 =	simm.s32 $_tile_overlayer_lowered  }
0x9b: {  	s22 =	simm.s32 $0x1BFF;
	s21 =	sshll.u32 s6, $0x1;
	s3 =	sadd.s32 s4, s19  }
0x9c: {  	s7 =	simm.s32 $0x0;
	s20 =	sshll.u32 s5, $0x1;
	s5 =	sadd.s32 s21, s3  }
0x9d: {  	[timem:s7], [sflag:s22] =	dma.local [hbm:s5], s20  }
0x9e: {  	_ =	swait.ge [sflag:s22], s20  }
0x9f: {  	s4 =	ssub.s32 $0x0, s20;
	[sflag:s22] =	ssyncset.done $0x0  }
0xa0: {  	[sflag:s22] =	ssyncadd.s32 s4;
	_ =	sdelay $0x1  }
0xa1: {  	s23 =	simm.s32 $0x1B8B  }
0xa2: {  	_ =	swait.ge [sflag:s23], $0x1  }
0xa3: {  	[sflag:s23] =	ssyncset.done $0x0  }
0xa4: {  	s25 =	simm.s32 $0x1B8E;
	s24 =	sld [smem:$0x3FFE];
	[sflag:s23] =	ssyncadd.s32 $0xFFFFFFFF  }
0xa5: {  	s26 =	simm.s32 $execute0_lowered;
	[smem:$0x3FD2] =	sst s25  }
0xa6: {  	s5 =	sshll.u32 s26, $0x1;
	_ =	strace $0x80000049;
	[dreg:$0x1] =	wrdreg $0xFFFFFFFF  }
0xa7: {  	s28 =	simm.s32 $_size_execute0_lowered;
	s3 =	sadd.s32 s3, s5;
	[dreg:$0x0] =	wrdreg $0x0  }
0xa8: {  	s5 =	sshll.u32 s28, $0x1;
	[dreg:$0x2] =	wrdreg s3  }
0xa9: {  	[dreg:$0x3] =	wrdreg s5  }
0xaa: {  	[dreg:$0x4] =	wrdreg $0xC0  }
0xab: {  	_ =	task [dreg:s7], $0x5FFFF  }
0xac: {  	[dreg:$0x1] =	wrdreg $0xFFFFFFFF  }
0xad: {  	[dreg:$0x0] =	wrdreg $0x60  }
0xae: {  	[dreg:$0x2] =	wrdreg s2  }
0xaf: {  	[dreg:$0x3] =	wrdreg s24  }
0xb0: {  	[dreg:$0x4] =	wrdreg $0xA8000  }
0xb1: {  	[dreg:$0x5] =	wrdreg $0x9  }
0xb2: {  	_ =	task.clear_ibuf [dreg:s7], $0x6FFFF;
	_ =	strace $0x90000049  }
0xb3: {  	s29 =	simm.s32 $0x9;
	_ =	strace $0x8000004B  }
0xb4: {  	_ =	swait.ge [sflag:s29], $0x1  }
0xb5: {  	[sflag:s29] =	ssyncadd.s32 $0xFFFFFFFF  }
0xb6: {  	_ =	strace $0x9000004B  }
0xb7: {  	_ =	sfence  }
0xb8: {  	s30 =	sld [smem:$0x0];
	_ =	sdelay $0x2  }
0xb9: {  	s31 =	sshll.u32 s1, $0xD;
	s1 =	sshrl.u32 s1, $0x2  }
0xba: {  	s3 =	sand.u32 $0x4000, s31;
	s1 =	sadd.s32 s1, s30  }
0xbb: {  	s0 =	sor.u32 s3, s0;
	s1 =	sshll.u32 s1, $0x11  }
0xbc: {  	s0 =	sor.u32 s1, s0  }
0xbd: {  	s0 =	sadd.s32 $0x8F2B, s0  }
0xbe: {  	[sflag:s0] =	ssyncadd.remote.s32 $0x1  }
0xbf: {  	_ =	sfence.sel $0xFFFF  }
0xc0: {  	[dreg:$0x0] =	wrdreg $0xFFFFFFFF;
	(pc) =	sbr.abs _section_cstart, $3  }
0xc1: {  	[dreg:$0x1] =	wrdreg $0xFFFFFFFF  }
0xc2: {  	_ =	task.clear_ibuf [dreg:s7], $0x2FFFF;
	_ =	strace $0x9FFFFFFF  }
0xc3: {  	(tm) =	ssettm $0x7FFFFFFF  }
tec
execute0_lowered:
.L_overlay_start_1:
0x0: {  	(tag) =	ssettag $0x1  }
0x1: {  	s9 =	rddreg [dreg:$0x0]  }
0x2: {  	s5 =	rddreg [dreg:$0x1]  }
0x3: {  	s2 =	rddreg [dreg:$0x2]  }
0x4: {  	s0 =	rddreg [dreg:$0x3];
	s1 =	stileid.u32  }
0x5: {  	s4 =	srdreg.scid;
	s3 =	simm.s32 $0x0;
	s16 =	simm.s32 $0x80  }
0x6: {  	s17 =	simm.s32 $0x2800;
	s18 =	simm.s32 $0x6800;
	s19 =	simm.s32 $0x1  }
0x7: {  	s20 =	simm.s32 $0x2;
	s21 =	simm.s32 $0x3;
	s22 =	simm.s32 $0x4  }
0x8: {  	s23 =	simm.s32 $0x0;
	s6 =	smul.u32 $0x14000, s1;
	s7 =	sand.u32 $0x1, s4  }
0x9: {  	[smem:$0x7FF] =	sst s3;
	s10 =	sadd.s32 $0x2600, s5;
	s26 =	smul.u32 $0x50000, s1  }
0xa: {  	s4 =	sadd.s32 $0xC600, s5;
	s30 =	sshll.u32 s1, $0x6;
	s8 =	smul.u32 $0x140000, s7  }
0xb: {  	_ =	strace $0x8000004A;
	s12 =	sshll.u32 s7, $0x4;
	s28 =	ssub.s32 $0x2, s7  }
0xc: {  	s11 =	sshrl.u32 s6, $0x3;
	s29 =	sor.u32 s1, s12;
	s7 =	sshrl.u32 s28, $0x1  }
0xd: {  	s11 =	sadd.s32 s11, s5;
	s6 =	sadd.s32 s6, s8;
	s8 =	sshrl.u32 s26, $0x2  }
0xe: {  	s12 =	smul.u32 $0x2800, s29;
	s14 =	ssub.s32 s28, s7;
	s6 =	sshrl.u32 s6, $0x3  }
0xf: {  	s15 =	sadd.s32 s8, s2;
	s13 =	sadd.s32 s6, s5;
	s5 =	sadd.s32 $0x84E00, s11  }
0x10: {  	s6 =	sor.u32 $0x1C05, s30;
	s31 =	sshrl.u32 s12, $0x3;
	s12 =	smax.u32 s14, $0x1  }
0x11: {  	s14 =	simm.s32 $0x5;
	s7 =	sadd.s32 s9, s31;
	s11 =	sadd.s32 $0x280, s31  }
0x12: {  	s8 =	sadd.s32 s10, s31;
	s9 =	sadd.s32 s9, s11;
	s10 =	sadd.s32 s10, s11  }
0x13: {  	s11 =	sadd.s32 $0xACE00, s13;
	s13 =	sshrl.u32 s15, $0x3;
	s15 =	simm.s32 $0x1400  }
.LBB2_1:
0x14: {  	[spmem:s13], [sflag:s6] =	dma.local [hbm:s5], $0x2800  }
0x15: {  	_ =	swait.ge [sflag:s14], $0x2800  }
0x16: {  	[sflag:s14] =	ssyncset.done $0x0  }
0x17: {  	[sflag:s14] =	ssyncadd.s32 $0xFFFFD800  }
0x18: {  	[bflag:$0x0] =	sbarrier.arrive $0xFFFF  }
0x19: {  	[tilespmem:s3], [sflag:$0x5] =	stream.linear.gather [hbm4b:s7+s3], $0x1400, $0x38;
	[tilespmem:$0x1E800] =	vst v63  }
0x1a: {  	_ =	swait.ge [sflag:s14], $0x1400  }
0x1b: {  	[sflag:s14] =	ssyncset.done $0x0  }
0x1c: {  	[sflag:s14] =	ssyncadd.s32 $0xFFFFEC00  }
0x1d: {  	[tilespmem:s15], [sflag:$0x5] =	stream.linear.gather [hbm4b:s8+s3], $0x1400, $0x38;
	[tilespmem:$0x1E800] =	vst v63  }
0x1e: {  	_ =	swait.ge [sflag:s14], $0x1400  }
0x1f: {  	[sflag:s14] =	ssyncset.done $0x0  }
0x20: {  	s24 =	simm.s32 $0x0;
	[sflag:s14] =	ssyncadd.s32 $0xFFFFEC00  }
0x21: {  	[tilespmem:s17], [sflag:$0x1] =	stream.indirect.gather [hbm4b:s4+s16], $0x80, s24, s16, $0xb8;
	[tilespmem:$0x1E800] =	vst v63  }
0x22: {  	s29 =	simm.s32 $0x80  }
0x23: {  	[tilespmem:s18], [sflag:$0x2] =	stream.indirect.gather [hbm4b:s4+s16], $0x80, s29, s16, $0xb8;
	[tilespmem:$0x1E800] =	vst v63  }
0x24: {  	_ =	swait.ge [sflag:s19], $0x4000  }
0x25: {  	[sflag:s19] =	ssyncset.done $0x0  }
0x26: {  	s30 =	simm.s32 $0x1400;
	[sflag:s19] =	ssyncadd.s32 $0xFFFFC000  }
0x27: {  	[spmem:s2] =	stream.indirect.scatter.add.f32 [tilespmem:s17], [sflag:$0x3], $0x80, s30, s16, $0xb8;
	[tilespmem:$0x1E800] =	vst v63  }
0x28: {  	_ =	swait.ge [sflag:s20], $0x4000  }
0x29: {  	[sflag:s20] =	ssyncset.done $0x0  }
0x2a: {  	s31 =	simm.s32 $0x1480;
	[sflag:s20] =	ssyncadd.s32 $0xFFFFC000  }
0x2b: {  	[spmem:s2] =	stream.indirect.scatter.add.f32 [tilespmem:s18], [sflag:$0x4], $0x80, s31, s16, $0xb8;
	[tilespmem:$0x1E800] =	vst v63  }
0x2c: {  	_ =	swait.ge [sflag:s21], $0x4000  }
0x2d: {  	[sflag:s21] =	ssyncset.done $0x0  }
0x2e: {  	[sflag:s21] =	ssyncadd.s32 $0xFFFFC000  }
0x2f: {  	_ =	swait.ge [sflag:s22], $0x4000  }
0x30: {  	s25 =	simm.s32 $0x800;
	s24 =	simm.s32 $0x400;
	[sflag:s22] =	ssyncset.done $0x0  }
.LBB2_2:
0x31: {  	s26 =	sshra.s32 s24, $0x2  }
0x32: {  	[sflag:s22] =	ssyncadd.s32 $0xFFFFC000;
	s24 =	smov.u32 s25;
	s28 =	sadd.s32 $0x400, s25  }
0x33: {  	[tilespmem:s17], [sflag:$0x1] =	stream.indirect.gather [hbm4b:s4+s16], $0x80, s26, s16, $0xb8;
	[tilespmem:$0x1E800] =	vst v63  }
0x34: {  	p0 =	sne.s32 s25, $0x4C00;
	s25 =	sadd.s32 $0x80, s26  }
0x35: {  	[tilespmem:s18], [sflag:$0x2] =	stream.indirect.gather [hbm4b:s4+s16], $0x80, s25, s16, $0xb8;
	[tilespmem:$0x1E800] =	vst v63  }
0x36: {  	_ =	swait.ge [sflag:s19], $0x4000  }
0x37: {  	[sflag:s19] =	ssyncset.done $0x0  }
0x38: {  	s25 =	sadd.s32 $0x1400, s26;
	[sflag:s19] =	ssyncadd.s32 $0xFFFFC000  }
0x39: {  	[spmem:s2] =	stream.indirect.scatter.add.f32 [tilespmem:s17], [sflag:$0x3], $0x80, s25, s16, $0xb8;
	[tilespmem:$0x1E800] =	vst v63  }
0x3a: {  	_ =	swait.ge [sflag:s20], $0x4000  }
0x3b: {  	[sflag:s20] =	ssyncset.done $0x0  }
0x3c: {  	s25 =	sadd.s32 $0x1480, s26;
	[sflag:s20] =	ssyncadd.s32 $0xFFFFC000  }
0x3d: {  	[spmem:s2] =	stream.indirect.scatter.add.f32 [tilespmem:s18], [sflag:$0x4], $0x80, s25, s16, $0xb8;
	[tilespmem:$0x1E800] =	vst v63  }
.Ltmp0:
0x3e: {  	_ =	swait.ge [sflag:s21], $0x4000;
	(pc) =	sbr.rel @p0 .LBB2_2-.Ltmp0, $4  }
0x3f: {  	[sflag:s21] =	ssyncset.done $0x0  }
0x40: {  	[sflag:s21] =	ssyncadd.s32 $0xFFFFC000  }
0x41: {  	_ =	swait.ge [sflag:s22], $0x4000  }
0x42: {  	s25 =	smov.u32 s28;
	[sflag:s22] =	ssyncset.done $0x0  }
0x43: {  	s24 =	sshra.s32 s24, $0x2;
	[sflag:s22] =	ssyncadd.s32 $0xFFFFC000  }
0x44: {  	[tilespmem:s17], [sflag:$0x1] =	stream.indirect.gather [hbm4b:s4+s16], $0x80, s24, s16, $0xb8;
	[tilespmem:$0x1E800] =	vst v63  }
0x45: {  	s25 =	sadd.s32 $0x80, s24  }
0x46: {  	[tilespmem:s18], [sflag:$0x2] =	stream.indirect.gather [hbm4b:s4+s16], $0x80, s25, s16, $0xb8;
	[tilespmem:$0x1E800] =	vst v63  }
0x47: {  	_ =	swait.ge [sflag:s19], $0x4000  }
0x48: {  	[sflag:s19] =	ssyncset.done $0x0  }
0x49: {  	s31 =	sadd.s32 $0x1400, s24;
	[sflag:s19] =	ssyncadd.s32 $0xFFFFC000  }
0x4a: {  	[spmem:s2] =	stream.indirect.scatter.add.f32 [tilespmem:s17], [sflag:$0x3], $0x80, s31, s16, $0xb8;
	[tilespmem:$0x1E800] =	vst v63  }
0x4b: {  	_ =	swait.ge [sflag:s20], $0x4000  }
0x4c: {  	[sflag:s20] =	ssyncset.done $0x0  }
0x4d: {  	s24 =	sadd.s32 $0x1480, s24;
	[sflag:s20] =	ssyncadd.s32 $0xFFFFC000  }
0x4e: {  	[spmem:s2] =	stream.indirect.scatter.add.f32 [tilespmem:s18], [sflag:$0x4], $0x80, s24, s16, $0xb8;
	[tilespmem:$0x1E800] =	vst v63  }
0x4f: {  	_ =	swait.ge [sflag:s21], $0x4000  }
0x50: {  	[sflag:s21] =	ssyncset.done $0x0  }
0x51: {  	[sflag:s21] =	ssyncadd.s32 $0xFFFFC000  }
0x52: {  	_ =	swait.ge [sflag:s22], $0x4000  }
0x53: {  	[sflag:s22] =	ssyncset.done $0x0  }
0x54: {  	s26 =	simm.s32 $0x0;
	[sflag:s22] =	ssyncadd.s32 $0xFFFFC000  }
0x55: {  	[tilespmem:s26], [sflag:$0x5] =	stream.linear.gather [hbm4b:s9+s26], $0x1400, $0x38;
	[tilespmem:$0x1E800] =	vst v63  }
0x56: {  	_ =	swait.ge [sflag:s14], $0x1400  }
0x57: {  	[sflag:s14] =	ssyncset.done $0x0  }
0x58: {  	[sflag:s14] =	ssyncadd.s32 $0xFFFFEC00  }
0x59: {  	[tilespmem:s15], [sflag:$0x5] =	stream.linear.gather [hbm4b:s10+s26], $0x1400, $0x38;
	[tilespmem:$0x1E800] =	vst v63  }
0x5a: {  	_ =	swait.ge [sflag:s14], $0x1400  }
0x5b: {  	[sflag:s14] =	ssyncset.done $0x0  }
0x5c: {  	s28 =	simm.s32 $0x0;
	[sflag:s14] =	ssyncadd.s32 $0xFFFFEC00  }
0x5d: {  	[tilespmem:s17], [sflag:$0x1] =	stream.indirect.gather [hbm4b:s4+s16], $0x80, s28, s16, $0xb8;
	[tilespmem:$0x1E800] =	vst v63  }
0x5e: {  	s29 =	simm.s32 $0x80  }
0x5f: {  	[tilespmem:s18], [sflag:$0x2] =	stream.indirect.gather [hbm4b:s4+s16], $0x80, s29, s16, $0xb8;
	[tilespmem:$0x1E800] =	vst v63  }
0x60: {  	_ =	swait.ge [sflag:s19], $0x4000  }
0x61: {  	[sflag:s19] =	ssyncset.done $0x0  }
0x62: {  	s30 =	simm.s32 $0x1400;
	[sflag:s19] =	ssyncadd.s32 $0xFFFFC000  }
0x63: {  	[spmem:s2] =	stream.indirect.scatter.add.f32 [tilespmem:s17], [sflag:$0x3], $0x80, s30, s16, $0xb8;
	[tilespmem:$0x1E800] =	vst v63  }
0x64: {  	_ =	swait.ge [sflag:s20], $0x4000  }
0x65: {  	[sflag:s20] =	ssyncset.done $0x0  }
0x66: {  	s31 =	simm.s32 $0x1480;
	[sflag:s20] =	ssyncadd.s32 $0xFFFFC000  }
0x67: {  	[spmem:s2] =	stream.indirect.scatter.add.f32 [tilespmem:s18], [sflag:$0x4], $0x80, s31, s16, $0xb8;
	[tilespmem:$0x1E800] =	vst v63  }
0x68: {  	_ =	swait.ge [sflag:s21], $0x4000  }
0x69: {  	[sflag:s21] =	ssyncset.done $0x0  }
0x6a: {  	[sflag:s21] =	ssyncadd.s32 $0xFFFFC000  }
0x6b: {  	_ =	swait.ge [sflag:s22], $0x4000  }
0x6c: {  	s25 =	simm.s32 $0x800;
	s24 =	simm.s32 $0x400;
	[sflag:s22] =	ssyncset.done $0x0  }
.LBB2_4:
0x6d: {  	s26 =	sshra.s32 s24, $0x2  }
0x6e: {  	[sflag:s22] =	ssyncadd.s32 $0xFFFFC000;
	s24 =	smov.u32 s25;
	s28 =	sadd.s32 $0x400, s25  }
0x6f: {  	[tilespmem:s17], [sflag:$0x1] =	stream.indirect.gather [hbm4b:s4+s16], $0x80, s26, s16, $0xb8;
	[tilespmem:$0x1E800] =	vst v63  }
0x70: {  	p0 =	sne.s32 s25, $0x4C00;
	s25 =	sadd.s32 $0x80, s26  }
0x71: {  	[tilespmem:s18], [sflag:$0x2] =	stream.indirect.gather [hbm4b:s4+s16], $0x80, s25, s16, $0xb8;
	[tilespmem:$0x1E800] =	vst v63  }
0x72: {  	_ =	swait.ge [sflag:s19], $0x4000  }
0x73: {  	[sflag:s19] =	ssyncset.done $0x0  }
0x74: {  	s25 =	sadd.s32 $0x1400, s26;
	[sflag:s19] =	ssyncadd.s32 $0xFFFFC000  }
0x75: {  	[spmem:s2] =	stream.indirect.scatter.add.f32 [tilespmem:s17], [sflag:$0x3], $0x80, s25, s16, $0xb8;
	[tilespmem:$0x1E800] =	vst v63  }
0x76: {  	_ =	swait.ge [sflag:s20], $0x4000  }
0x77: {  	[sflag:s20] =	ssyncset.done $0x0  }
0x78: {  	s25 =	sadd.s32 $0x1480, s26;
	[sflag:s20] =	ssyncadd.s32 $0xFFFFC000  }
0x79: {  	[spmem:s2] =	stream.indirect.scatter.add.f32 [tilespmem:s18], [sflag:$0x4], $0x80, s25, s16, $0xb8;
	[tilespmem:$0x1E800] =	vst v63  }
.Ltmp1:
0x7a: {  	_ =	swait.ge [sflag:s21], $0x4000;
	(pc) =	sbr.rel @p0 .LBB2_4-.Ltmp1, $4  }
0x7b: {  	[sflag:s21] =	ssyncset.done $0x0  }
0x7c: {  	[sflag:s21] =	ssyncadd.s32 $0xFFFFC000  }
0x7d: {  	_ =	swait.ge [sflag:s22], $0x4000  }
0x7e: {  	s25 =	smov.u32 s28;
	[sflag:s22] =	ssyncset.done $0x0  }
0x7f: {  	s24 =	sshra.s32 s24, $0x2;
	[sflag:s22] =	ssyncadd.s32 $0xFFFFC000  }
0x80: {  	[tilespmem:s17], [sflag:$0x1] =	stream.indirect.gather [hbm4b:s4+s16], $0x80, s24, s16, $0xb8;
	[tilespmem:$0x1E800] =	vst v63  }
0x81: {  	s25 =	sadd.s32 $0x80, s24  }
0x82: {  	[tilespmem:s18], [sflag:$0x2] =	stream.indirect.gather [hbm4b:s4+s16], $0x80, s25, s16, $0xb8;
	[tilespmem:$0x1E800] =	vst v63  }
0x83: {  	_ =	swait.ge [sflag:s19], $0x4000  }
0x84: {  	[sflag:s19] =	ssyncset.done $0x0  }
0x85: {  	s31 =	sadd.s32 $0x1400, s24;
	[sflag:s19] =	ssyncadd.s32 $0xFFFFC000  }
0x86: {  	[spmem:s2] =	stream.indirect.scatter.add.f32 [tilespmem:s17], [sflag:$0x3], $0x80, s31, s16, $0xb8;
	[tilespmem:$0x1E800] =	vst v63  }
0x87: {  	_ =	swait.ge [sflag:s20], $0x4000  }
0x88: {  	[sflag:s20] =	ssyncset.done $0x0  }
0x89: {  	s24 =	sadd.s32 $0x1480, s24;
	[sflag:s20] =	ssyncadd.s32 $0xFFFFC000  }
0x8a: {  	[spmem:s2] =	stream.indirect.scatter.add.f32 [tilespmem:s18], [sflag:$0x4], $0x80, s24, s16, $0xb8;
	[tilespmem:$0x1E800] =	vst v63  }
0x8b: {  	_ =	swait.ge [sflag:s21], $0x4000  }
0x8c: {  	[sflag:s21] =	ssyncset.done $0x0  }
0x8d: {  	[sflag:s21] =	ssyncadd.s32 $0xFFFFC000  }
0x8e: {  	_ =	swait.ge [sflag:s22], $0x4000  }
0x8f: {  	s23 =	sadd.s32 $0x1, s23;
	[sflag:s22] =	ssyncset.done $0x0  }
0x90: {  	p0 =	sne.s32 s23, s12;
	[sflag:s22] =	ssyncadd.s32 $0xFFFFC000  }
.Ltmp2:
0x91: {  	[bflag:$0x0] =	sbarrier.arrive $0xFFFF;
	(pc) =	sbr.rel @p0 .LBB2_1-.Ltmp2, $4  }
0x92: {  	[hbm:s11], [sflag:s6] =	dma.local [spmem:s13], $0x2800  }
0x93: {  	_ =	swait.ge [sflag:s14], $0x2800  }
0x94: {  	[sflag:s14] =	ssyncset.done $0x0  }
0x95: {  	[sflag:s14] =	ssyncadd.s32 $0xFFFFD800  }
0x96: {  	_ =	sfence.sel $0x180000  }
0x97: {  	[bflag:$0x0] =	sbarrier.arrive $0xFFFF  }
0x98: {  	p0 =	sne.s32 s1, $0x0;
	_ =	strace $0x9000004A  }
0x99: {  	s0 =	sadd.s32 @!p0 $0x100000, s0;
	[bflag:$0x2] =	sbarrier.arrive $0xFFFF  }
0x9a: {  	[sflag:s0] =	ssyncadd.tile.s32 @!p0 $0x1;
	_ =	shalt  }
.Lfunc_end2:
_tile_overlayer_lowered:
.L_overlay_start_2:
0x9b: {  	(tag) =	ssettag $0x2  }
0x9c: {  	s0 =	rddreg [dreg:$0x0];
	s2 =	stileid.u32  }
0x9d: {  	s1 =	rddreg [dreg:$0x1];
	p0 =	sne.s32 s2, $0x0  }
0x9e: {  	s3 =	rddreg [dreg:$0x2];
	[bflag:$0x3] =	sbarrier.arrive $0xFFFF;
	s2 =	simm.s32 @!p0 $0x1C05  }
0x9f: {  	[timem:s3], [sflag:s2] =	dma.local @!p0 [hbm:s0], s1  }
0xa0: {  	s0 =	simm.s32 @!p0 $0x5  }
0xa1: {  	_ =	swait.ge @!p0 [sflag:s0], s1  }
0xa2: {  	s1 =	ssub.s32 @!p0 $0x0, s1;
	[sflag:s0] =	ssyncset.done @!p0 $0x0  }
0xa3: {  	[sflag:s0] =	ssyncadd.s32 @!p0 s1  }
0xa4: {  	[bflag:$0x3] =	sbarrier.arrive $0xFFFF  }
0xa5: {  	_ =	shalt  }

// kernel: _run.14.cloned.1.call-start
scs
__scs_entry_jumppad:
0x0: {  	(pc) =	sbr.rel $0x88, $3  }
0x1: {  	(tag) =	ssettag $0x0;
	lr =	simm.s32 $0x1  }
0x2: {  	[smem:$0x3F99] =	sst lr;
	_ =	strace $0xD0000000  }
0x3: {  	_ = 	snop  }
0x4: {  	_ = 	snop  }
0x5: {  	_ = 	snop  }
0x6: {  	_ = 	snop  }
0x7: {  	_ = 	snop  }
__scs_overlays_trampoline_lowered:
0x8: {  	[smem:$0x3FA8] =	sst s0  }
0x9: {  	[smem:$0x3FA9] =	sst s1  }
0xa: {  	[smem:$0x3FAA] =	sst s2  }
0xb: {  	[smem:$0x3FAB] =	sst s3  }
0xc: {  	[smem:$0x3FAC] =	sst s4  }
0xd: {  	[smem:$0x3FAD] =	sst s5  }
0xe: {  	[smem:$0x3FAE] =	sst s6  }
0xf: {  	[smem:$0x3FAF] =	sst s7  }
0x10: {  	[smem:$0x3FB0] =	sst s8  }
0x11: {  	[smem:$0x3FB1] =	sst s9;
	s0 =	simm.s32 @!p0 $0x0  }
0x12: {  	s1 =	sld [smem:$0x3F97];
	s0 =	simm.s32 @p0 $0x1  }
0x13: {  	[smem:$0x3FB2] =	sst s0;
	s0 =	simm.s32 @!p1 $0x0  }
0x14: {  	s2 =	sld [smem:$0x3F96];
	s0 =	simm.s32 @p1 $0x1  }
0x15: {  	[smem:$0x3FB3] =	sst s0;
	s0 =	simm.s32 @!p2 $0x0  }
0x16: {  	s3 =	sld [smem:$0x3FDB];
	s0 =	simm.s32 @p2 $0x1  }
0x17: {  	s4 =	simm.s32 $0x1BF5;
	[smem:$0x3FB5] =	sst s0  }
0x18: {  	s0 =	sld [smem:$0x3F98];
	_ =	swait.ge [sflag:s4], $0x0  }
0x19: {  	s7 =	sld [smem:$0x3F99]  }
0x1a: {  	s8 =	sadd.s32 $0xFFFFE003, lr  }
0x1b: {  	s9 =	sadd.s32 $0xFFFFFEF7, lr;
	s5 =	simm.s32 $0xFFFFFFFF;
	p2 =	slt.u32 s8, $0xFFFFF086  }
0x1c: {  	p1 =	slt.u32 s9, $0xF7A;
	s5 =	simm.s32 @!p2 $0x0  }
0x1d: {  	s5 =	simm.s32 @p1 $0x1;
	p0 =	seq.s32 s7, s2  }
0x1e: {  	s7 =	smul.u32 @!p0 $0xF7A, s2;
	p2 =	seq.s32 @!p0 s5, $0x0  }
0x1f: {  	s9 =	smul.u32 $0xF7A, s1;
	s8 =	simm.s32 @!p0 $0x1BF5;
	p2 =	por !p2, p0  }
0x20: {  	[sflag:s8] =	ssyncset.s32 @!p0 $0xFFFFF086;
	s6 =	sadd.s32 @!p0 s3, s7;
	s7 =	simm.s32 @!p0 $0x108  }
0x21: {  	s3 =	sadd.s32 s3, s9;
	s6 =	sadd.s32 @!p0 $0x88, s6;
	s7 =	simm.s32 @p2 $0x1082  }
0x22: {  	[simem:s7], [sflag:s8] =	dma.local @!p0 [hbm:s6], $0xF7A  }
0x23: {  	s9 =	sor.u32 $0xD0000000, s2;
	s6 =	simm.s32 $0x108;
	_ =	swait.ge @!p0 [sflag:s8], $0x0  }
0x24: {  	s3 =	sadd.s32 $0x88, s3;
	s6 =	simm.s32 @!p1 $0x1082;
	[sflag:s4] =	ssyncset.s32 $0xFFFFF086  }
0x25: {  	[simem:s6], [sflag:s4] =	dma.local [hbm:s3], $0xF7A  }
0x26: {  	[smem:$0x3F99] =	sst s1;
	(tag) =	ssettag s2;
	_ =	strace s9  }
0x27: {  	s1 =	sld [smem:$0x3FA9]  }
0x28: {  	s2 =	sld [smem:$0x3FAA]  }
0x29: {  	s4 =	sld [smem:$0x3FAC]  }
0x2a: {  	p0 =	seq.s32 s5, $0x0;
	s5 =	sld [smem:$0x3FAD]  }
0x2b: {  	s6 =	sld [smem:$0x3FAE]  }
0x2c: {  	s7 =	sld [smem:$0x3FAF]  }
0x2d: {  	s3 =	simm.s32 $0x108;
	s8 =	sld [smem:$0x3FB0]  }
0x2e: {  	s3 =	simm.s32 @!p0 $0x1082;
	s9 =	sld [smem:$0x3FB1]  }
0x2f: {  	lr =	sadd.s32 s0, s3;
	s0 =	sld [smem:$0x3FA8]  }
0x30: {  	s3 =	sld [smem:$0x3FAB]  }
0x31: {  	[smem:$0x3FB4] =	sst s10  }
0x32: {  	s10 =	sld [smem:$0x3FB2];
	_ =	sdelay $0x3  }
0x33: {  	p0 =	seq.s32 s10, $0x1;
	s10 =	sld [smem:$0x3FB4];
	_ =	sdelay $0x3  }
0x34: {  	[smem:$0x3FB4] =	sst s10  }
0x35: {  	s10 =	sld [smem:$0x3FB3];
	_ =	sdelay $0x3  }
0x36: {  	p1 =	seq.s32 s10, $0x1;
	s10 =	sld [smem:$0x3FB4];
	_ =	sdelay $0x3  }
0x37: {  	[smem:$0x3FB4] =	sst s10  }
0x38: {  	s10 =	sld [smem:$0x3FB5]  }
0x39: {  	_ = 	snop;
	(pc) =	sbr.ind lr, $3  }
0x3a: {  	_ = 	snop  }
0x3b: {  	_ = 	snop  }
0x3c: {  	p2 =	seq.s32 s10, $0x1;
	s10 =	sld [smem:$0x3FB4]  }
0x3d: {  	_ =	shalt  }
0x3e: {  	_ =	shalt  }
0x3f: {  	_ =	shalt  }
0x40: {  	_ =	shalt  }
0x41: {  	_ =	shalt  }
0x42: {  	_ =	shalt  }
0x43: {  	_ =	shalt  }
0x44: {  	_ =	shalt  }
0x45: {  	_ =	shalt  }
0x46: {  	_ =	shalt  }
0x47: {  	_ =	shalt  }
0x48: {  	_ =	shalt  }
0x49: {  	_ =	shalt  }
0x4a: {  	_ =	shalt  }
0x4b: {  	_ =	shalt  }
0x4c: {  	_ =	shalt  }
0x4d: {  	_ =	shalt  }
0x4e: {  	_ =	shalt  }
0x4f: {  	_ =	shalt  }
0x50: {  	_ =	shalt  }
0x51: {  	_ =	shalt  }
0x52: {  	_ =	shalt  }
0x53: {  	_ =	shalt  }
0x54: {  	_ =	shalt  }
0x55: {  	_ =	shalt  }
0x56: {  	_ =	shalt  }
0x57: {  	_ =	shalt  }
0x58: {  	_ =	shalt  }
0x59: {  	_ =	shalt  }
0x5a: {  	_ =	shalt  }
0x5b: {  	_ =	shalt  }
0x5c: {  	_ =	shalt  }
0x5d: {  	_ =	shalt  }
0x5e: {  	_ =	shalt  }
0x5f: {  	_ =	shalt  }
0x60: {  	_ =	shalt  }
0x61: {  	_ =	shalt  }
0x62: {  	_ =	shalt  }
0x63: {  	_ =	shalt  }
0x64: {  	_ =	shalt  }
0x65: {  	_ =	shalt  }
0x66: {  	_ =	shalt  }
0x67: {  	_ =	shalt  }
0x68: {  	_ =	shalt  }
0x69: {  	_ =	shalt  }
0x6a: {  	_ =	shalt  }
0x6b: {  	_ =	shalt  }
0x6c: {  	_ =	shalt  }
0x6d: {  	_ =	shalt  }
0x6e: {  	_ =	shalt  }
0x6f: {  	_ =	shalt  }
0x70: {  	_ =	shalt  }
0x71: {  	_ =	shalt  }
0x72: {  	_ =	shalt  }
0x73: {  	_ =	shalt  }
0x74: {  	_ =	shalt  }
0x75: {  	_ =	shalt  }
0x76: {  	_ =	shalt  }
0x77: {  	_ =	shalt  }
0x78: {  	_ =	shalt  }
0x79: {  	_ =	shalt  }
0x7a: {  	_ =	shalt  }
0x7b: {  	_ =	shalt  }
0x7c: {  	_ =	shalt  }
0x7d: {  	_ =	shalt  }
0x7e: {  	_ =	shalt  }
0x7f: {  	_ =	shalt  }
0x80: {  	_ =	shalt  }
0x81: {  	_ =	shalt  }
0x82: {  	_ =	shalt  }
0x83: {  	_ =	shalt  }
0x84: {  	_ =	shalt  }
0x85: {  	_ =	shalt  }
0x86: {  	_ =	shalt  }
0x87: {  	_ =	shalt  }
.Lfunc_end0:
.L_simem_size_0:
called_computation.2_lowered:
.L_overlay_start_0:
0x88: {  	s2 =	sld [smem:$0x3FD9]  }
0x89: {  	s3 =	sld [smem:$0x3FFE];
	_ =	sdelay $0x1  }
0x8a: {  	s1 =	srdreg.scid  }
0x8b: {  	s0 =	sand.u32 $0x1, s1  }
0x8c: {  	s17 =	sshll.u32 s0, $0xA;
	s2 =	sadd.s32 s3, s2  }
0x8d: {  	s2 =	sadd.s32 s2, s17  }
0x8e: {  	[smem:$0x3FC0] =	sst s2  }
0x8f: {  	_ = 	snop  }
0x90: {  	s2 =	sld [smem:$0x3FD0];
	(tm) =	ssettm $0x1  }
0x91: {  	s18 =	sld [smem:$0x3FFB];
	_ =	sdelay $0x3  }
0x92: {  	_ =	strace s18  }
0x93: {  	s3 =	sld [smem:$0x3FFC];
	_ =	sdelay $0x3  }
0x94: {  	_ =	strace s3  }
0x95: {  	s3 =	sld [smem:$0x3FFD];
	_ =	sdelay $0x3  }
0x96: {  	_ =	strace s3  }
0x97: {  	_ =	strace $0x8FFFFFFF  }
0x98: {  	s19 =	sld [smem:$0x3FDB];
	_ =	sdelay $0x1  }
0x99: {  	s4 =	simm.s32 $_scs_section_size  }
0x9a: {  	s5 =	simm.s32 $_size__tile_overlayer_lowered;
	s6 =	simm.s32 $_tile_overlayer_lowered  }
0x9b: {  	s22 =	simm.s32 $0x1BFF;
	s21 =	sshll.u32 s6, $0x1;
	s3 =	sadd.s32 s4, s19  }
0x9c: {  	s7 =	simm.s32 $0x0;
	s20 =	sshll.u32 s5, $0x1;
	s5 =	sadd.s32 s21, s3  }
0x9d: {  	[timem:s7], [sflag:s22] =	dma.local [hbm:s5], s20  }
0x9e: {  	_ =	swait.ge [sflag:s22], s20  }
0x9f: {  	s4 =	ssub.s32 $0x0, s20;
	[sflag:s22] =	ssyncset.done $0x0  }
0xa0: {  	[sflag:s22] =	ssyncadd.s32 s4;
	_ =	sdelay $0x1  }
0xa1: {  	s23 =	simm.s32 $0x1B8B  }
0xa2: {  	_ =	swait.ge [sflag:s23], $0x1  }
0xa3: {  	[sflag:s23] =	ssyncset.done $0x0  }
0xa4: {  	s25 =	simm.s32 $0x1B8E;
	s24 =	sld [smem:$0x3FFE];
	[sflag:s23] =	ssyncadd.s32 $0xFFFFFFFF  }
0xa5: {  	s26 =	simm.s32 $execute0_lowered;
	[smem:$0x3FD2] =	sst s25  }
0xa6: {  	s5 =	sshll.u32 s26, $0x1;
	_ =	strace $0x8000004C;
	[dreg:$0x1] =	wrdreg $0xFFFFFFFF  }
0xa7: {  	s28 =	simm.s32 $_size_execute0_lowered;
	s3 =	sadd.s32 s3, s5;
	[dreg:$0x0] =	wrdreg $0x0  }
0xa8: {  	s5 =	sshll.u32 s28, $0x1;
	[dreg:$0x2] =	wrdreg s3  }
0xa9: {  	[dreg:$0x3] =	wrdreg s5  }
0xaa: {  	[dreg:$0x4] =	wrdreg $0xC0  }
0xab: {  	_ =	task [dreg:s7], $0x5FFFF  }
0xac: {  	[dreg:$0x1] =	wrdreg $0xFFFFFFFF  }
0xad: {  	[dreg:$0x0] =	wrdreg $0x60  }
0xae: {  	[dreg:$0x2] =	wrdreg s2  }
0xaf: {  	[dreg:$0x3] =	wrdreg s24  }
0xb0: {  	[dreg:$0x4] =	wrdreg $0xA8000  }
0xb1: {  	[dreg:$0x5] =	wrdreg $0x9  }
0xb2: {  	_ =	task.clear_ibuf [dreg:s7], $0x6FFFF;
	_ =	strace $0x9000004C  }
0xb3: {  	s29 =	simm.s32 $0x9;
	_ =	strace $0x8000004E  }
0xb4: {  	_ =	swait.ge [sflag:s29], $0x1  }
0xb5: {  	[sflag:s29] =	ssyncadd.s32 $0xFFFFFFFF  }
0xb6: {  	_ =	strace $0x9000004E  }
0xb7: {  	_ =	sfence  }
0xb8: {  	s30 =	sld [smem:$0x0];
	_ =	sdelay $0x2  }
0xb9: {  	s31 =	sshll.u32 s1, $0xD;
	s1 =	sshrl.u32 s1, $0x2  }
0xba: {  	s3 =	sand.u32 $0x4000, s31;
	s1 =	sadd.s32 s1, s30  }
0xbb: {  	s0 =	sor.u32 s3, s0;
	s1 =	sshll.u32 s1, $0x11  }
0xbc: {  	s0 =	sor.u32 s1, s0  }
0xbd: {  	s0 =	sadd.s32 $0x8F2B, s0  }
0xbe: {  	[sflag:s0] =	ssyncadd.remote.s32 $0x1  }
0xbf: {  	_ =	sfence.sel $0xFFFF  }
0xc0: {  	[dreg:$0x0] =	wrdreg $0xFFFFFFFF;
	(pc) =	sbr.abs _section_cstart, $3  }
0xc1: {  	[dreg:$0x1] =	wrdreg $0xFFFFFFFF  }
0xc2: {  	_ =	task.clear_ibuf [dreg:s7], $0x2FFFF;
	_ =	strace $0x9FFFFFFF  }
0xc3: {  	(tm) =	ssettm $0x7FFFFFFF  }
tec
execute0_lowered:
.L_overlay_start_1:
0x0: {  	(tag) =	ssettag $0x1  }
0x1: {  	s9 =	rddreg [dreg:$0x0]  }
0x2: {  	s5 =	rddreg [dreg:$0x1]  }
0x3: {  	s2 =	rddreg [dreg:$0x2]  }
0x4: {  	s0 =	rddreg [dreg:$0x3];
	s1 =	stileid.u32  }
0x5: {  	s4 =	srdreg.scid;
	s3 =	simm.s32 $0x0;
	s16 =	simm.s32 $0x80  }
0x6: {  	s17 =	simm.s32 $0x2800;
	s18 =	simm.s32 $0x6800;
	s19 =	simm.s32 $0x1  }
0x7: {  	s20 =	simm.s32 $0x2;
	s21 =	simm.s32 $0x3;
	s22 =	simm.s32 $0x4  }
0x8: {  	s23 =	simm.s32 $0x0;
	s6 =	smul.u32 $0x14000, s1;
	s7 =	sand.u32 $0x1, s4  }
0x9: {  	[smem:$0x7FF] =	sst s3;
	s10 =	sadd.s32 $0x2600, s5;
	s26 =	smul.u32 $0x50000, s1  }
0xa: {  	s4 =	sadd.s32 $0xC600, s5;
	s30 =	sshll.u32 s1, $0x6;
	s8 =	smul.u32 $0x140000, s7  }
0xb: {  	_ =	strace $0x8000004D;
	s12 =	sshll.u32 s7, $0x4;
	s28 =	ssub.s32 $0x2, s7  }
0xc: {  	s11 =	sshrl.u32 s6, $0x3;
	s29 =	sor.u32 s1, s12;
	s7 =	sshrl.u32 s28, $0x1  }
0xd: {  	s11 =	sadd.s32 s11, s5;
	s6 =	sadd.s32 s6, s8;
	s8 =	sshrl.u32 s26, $0x2  }
0xe: {  	s12 =	smul.u32 $0x2800, s29;
	s14 =	ssub.s32 s28, s7;
	s6 =	sshrl.u32 s6, $0x3  }
0xf: {  	s15 =	sadd.s32 s8, s2;
	s13 =	sadd.s32 s6, s5;
	s5 =	sadd.s32 $0x84E00, s11  }
0x10: {  	s6 =	sor.u32 $0x1C05, s30;
	s31 =	sshrl.u32 s12, $0x3;
	s12 =	smax.u32 s14, $0x1  }
0x11: {  	s14 =	simm.s32 $0x5;
	s7 =	sadd.s32 s9, s31;
	s11 =	sadd.s32 $0x280, s31  }
0x12: {  	s8 =	sadd.s32 s10, s31;
	s9 =	sadd.s32 s9, s11;
	s10 =	sadd.s32 s10, s11  }
0x13: {  	s11 =	sadd.s32 $0xACE00, s13;
	s13 =	sshrl.u32 s15, $0x3;
	s15 =	simm.s32 $0x1400  }
.LBB2_1:
0x14: {  	[spmem:s13], [sflag:s6] =	dma.local [hbm:s5], $0x2800  }
0x15: {  	_ =	swait.ge [sflag:s14], $0x2800  }
0x16: {  	[sflag:s14] =	ssyncset.done $0x0  }
0x17: {  	[sflag:s14] =	ssyncadd.s32 $0xFFFFD800  }
0x18: {  	[bflag:$0x0] =	sbarrier.arrive $0xFFFF  }
0x19: {  	[tilespmem:s3], [sflag:$0x5] =	stream.linear.gather [hbm4b:s7+s3], $0x1400, $0x38;
	[tilespmem:$0x1E800] =	vst v63  }
0x1a: {  	_ =	swait.ge [sflag:s14], $0x1400  }
0x1b: {  	[sflag:s14] =	ssyncset.done $0x0  }
0x1c: {  	[sflag:s14] =	ssyncadd.s32 $0xFFFFEC00  }
0x1d: {  	[tilespmem:s15], [sflag:$0x5] =	stream.linear.gather [hbm4b:s8+s3], $0x1400, $0x38;
	[tilespmem:$0x1E800] =	vst v63  }
0x1e: {  	_ =	swait.ge [sflag:s14], $0x1400  }
0x1f: {  	[sflag:s14] =	ssyncset.done $0x0  }
0x20: {  	s24 =	simm.s32 $0x0;
	[sflag:s14] =	ssyncadd.s32 $0xFFFFEC00  }
0x21: {  	[tilespmem:s17], [sflag:$0x1] =	stream.indirect.gather [hbm4b:s4+s16], $0x80, s24, s16, $0xb8;
	[tilespmem:$0x1E800] =	vst v63  }
0x22: {  	s29 =	simm.s32 $0x80  }
0x23: {  	[tilespmem:s18], [sflag:$0x2] =	stream.indirect.gather [hbm4b:s4+s16], $0x80, s29, s16, $0xb8;
	[tilespmem:$0x1E800] =	vst v63  }
0x24: {  	_ =	swait.ge [sflag:s19], $0x4000  }
0x25: {  	[sflag:s19] =	ssyncset.done $0x0  }
0x26: {  	s30 =	simm.s32 $0x1400;
	[sflag:s19] =	ssyncadd.s32 $0xFFFFC000  }
0x27: {  	[spmem:s2] =	stream.indirect.scatter.add.f32 [tilespmem:s17], [sflag:$0x3], $0x80, s30, s16, $0xb8;
	[tilespmem:$0x1E800] =	vst v63  }
0x28: {  	_ =	swait.ge [sflag:s20], $0x4000  }
0x29: {  	[sflag:s20] =	ssyncset.done $0x0  }
0x2a: {  	s31 =	simm.s32 $0x1480;
	[sflag:s20] =	ssyncadd.s32 $0xFFFFC000  }
0x2b: {  	[spmem:s2] =	stream.indirect.scatter.add.f32 [tilespmem:s18], [sflag:$0x4], $0x80, s31, s16, $0xb8;
	[tilespmem:$0x1E800] =	vst v63  }
0x2c: {  	_ =	swait.ge [sflag:s21], $0x4000  }
0x2d: {  	[sflag:s21] =	ssyncset.done $0x0  }
0x2e: {  	[sflag:s21] =	ssyncadd.s32 $0xFFFFC000  }
0x2f: {  	_ =	swait.ge [sflag:s22], $0x4000  }
0x30: {  	s25 =	simm.s32 $0x800;
	s24 =	simm.s32 $0x400;
	[sflag:s22] =	ssyncset.done $0x0  }
.LBB2_2:
0x31: {  	s26 =	sshra.s32 s24, $0x2  }
0x32: {  	[sflag:s22] =	ssyncadd.s32 $0xFFFFC000;
	s24 =	smov.u32 s25;
	s28 =	sadd.s32 $0x400, s25  }
0x33: {  	[tilespmem:s17], [sflag:$0x1] =	stream.indirect.gather [hbm4b:s4+s16], $0x80, s26, s16, $0xb8;
	[tilespmem:$0x1E800] =	vst v63  }
0x34: {  	p0 =	sne.s32 s25, $0x4C00;
	s25 =	sadd.s32 $0x80, s26  }
0x35: {  	[tilespmem:s18], [sflag:$0x2] =	stream.indirect.gather [hbm4b:s4+s16], $0x80, s25, s16, $0xb8;
	[tilespmem:$0x1E800] =	vst v63  }
0x36: {  	_ =	swait.ge [sflag:s19], $0x4000  }
0x37: {  	[sflag:s19] =	ssyncset.done $0x0  }
0x38: {  	s25 =	sadd.s32 $0x1400, s26;
	[sflag:s19] =	ssyncadd.s32 $0xFFFFC000  }
0x39: {  	[spmem:s2] =	stream.indirect.scatter.add.f32 [tilespmem:s17], [sflag:$0x3], $0x80, s25, s16, $0xb8;
	[tilespmem:$0x1E800] =	vst v63  }
0x3a: {  	_ =	swait.ge [sflag:s20], $0x4000  }
0x3b: {  	[sflag:s20] =	ssyncset.done $0x0  }
0x3c: {  	s25 =	sadd.s32 $0x1480, s26;
	[sflag:s20] =	ssyncadd.s32 $0xFFFFC000  }
0x3d: {  	[spmem:s2] =	stream.indirect.scatter.add.f32 [tilespmem:s18], [sflag:$0x4], $0x80, s25, s16, $0xb8;
	[tilespmem:$0x1E800] =	vst v63  }
.Ltmp0:
0x3e: {  	_ =	swait.ge [sflag:s21], $0x4000;
	(pc) =	sbr.rel @p0 .LBB2_2-.Ltmp0, $4  }
0x3f: {  	[sflag:s21] =	ssyncset.done $0x0  }
0x40: {  	[sflag:s21] =	ssyncadd.s32 $0xFFFFC000  }
0x41: {  	_ =	swait.ge [sflag:s22], $0x4000  }
0x42: {  	s25 =	smov.u32 s28;
	[sflag:s22] =	ssyncset.done $0x0  }
0x43: {  	s24 =	sshra.s32 s24, $0x2;
	[sflag:s22] =	ssyncadd.s32 $0xFFFFC000  }
0x44: {  	[tilespmem:s17], [sflag:$0x1] =	stream.indirect.gather [hbm4b:s4+s16], $0x80, s24, s16, $0xb8;
	[tilespmem:$0x1E800] =	vst v63  }
0x45: {  	s25 =	sadd.s32 $0x80, s24  }
0x46: {  	[tilespmem:s18], [sflag:$0x2] =	stream.indirect.gather [hbm4b:s4+s16], $0x80, s25, s16, $0xb8;
	[tilespmem:$0x1E800] =	vst v63  }
0x47: {  	_ =	swait.ge [sflag:s19], $0x4000  }
0x48: {  	[sflag:s19] =	ssyncset.done $0x0  }
0x49: {  	s31 =	sadd.s32 $0x1400, s24;
	[sflag:s19] =	ssyncadd.s32 $0xFFFFC000  }
0x4a: {  	[spmem:s2] =	stream.indirect.scatter.add.f32 [tilespmem:s17], [sflag:$0x3], $0x80, s31, s16, $0xb8;
	[tilespmem:$0x1E800] =	vst v63  }
0x4b: {  	_ =	swait.ge [sflag:s20], $0x4000  }
0x4c: {  	[sflag:s20] =	ssyncset.done $0x0  }
0x4d: {  	s24 =	sadd.s32 $0x1480, s24;
	[sflag:s20] =	ssyncadd.s32 $0xFFFFC000  }
0x4e: {  	[spmem:s2] =	stream.indirect.scatter.add.f32 [tilespmem:s18], [sflag:$0x4], $0x80, s24, s16, $0xb8;
	[tilespmem:$0x1E800] =	vst v63  }
0x4f: {  	_ =	swait.ge [sflag:s21], $0x4000  }
0x50: {  	[sflag:s21] =	ssyncset.done $0x0  }
0x51: {  	[sflag:s21] =	ssyncadd.s32 $0xFFFFC000  }
0x52: {  	_ =	swait.ge [sflag:s22], $0x4000  }
0x53: {  	[sflag:s22] =	ssyncset.done $0x0  }
0x54: {  	s26 =	simm.s32 $0x0;
	[sflag:s22] =	ssyncadd.s32 $0xFFFFC000  }
0x55: {  	[tilespmem:s26], [sflag:$0x5] =	stream.linear.gather [hbm4b:s9+s26], $0x1400, $0x38;
	[tilespmem:$0x1E800] =	vst v63  }
0x56: {  	_ =	swait.ge [sflag:s14], $0x1400  }
0x57: {  	[sflag:s14] =	ssyncset.done $0x0  }
0x58: {  	[sflag:s14] =	ssyncadd.s32 $0xFFFFEC00  }
0x59: {  	[tilespmem:s15], [sflag:$0x5] =	stream.linear.gather [hbm4b:s10+s26], $0x1400, $0x38;
	[tilespmem:$0x1E800] =	vst v63  }
0x5a: {  	_ =	swait.ge [sflag:s14], $0x1400  }
0x5b: {  	[sflag:s14] =	ssyncset.done $0x0  }
0x5c: {  	s28 =	simm.s32 $0x0;
	[sflag:s14] =	ssyncadd.s32 $0xFFFFEC00  }
0x5d: {  	[tilespmem:s17], [sflag:$0x1] =	stream.indirect.gather [hbm4b:s4+s16], $0x80, s28, s16, $0xb8;
	[tilespmem:$0x1E800] =	vst v63  }
0x5e: {  	s29 =	simm.s32 $0x80  }
0x5f: {  	[tilespmem:s18], [sflag:$0x2] =	stream.indirect.gather [hbm4b:s4+s16], $0x80, s29, s16, $0xb8;
	[tilespmem:$0x1E800] =	vst v63  }
0x60: {  	_ =	swait.ge [sflag:s19], $0x4000  }
0x61: {  	[sflag:s19] =	ssyncset.done $0x0  }
0x62: {  	s30 =	simm.s32 $0x1400;
	[sflag:s19] =	ssyncadd.s32 $0xFFFFC000  }
0x63: {  	[spmem:s2] =	stream.indirect.scatter.add.f32 [tilespmem:s17], [sflag:$0x3], $0x80, s30, s16, $0xb8;
	[tilespmem:$0x1E800] =	vst v63  }
0x64: {  	_ =	swait.ge [sflag:s20], $0x4000  }
0x65: {  	[sflag:s20] =	ssyncset.done $0x0  }
0x66: {  	s31 =	simm.s32 $0x1480;
	[sflag:s20] =	ssyncadd.s32 $0xFFFFC000  }
0x67: {  	[spmem:s2] =	stream.indirect.scatter.add.f32 [tilespmem:s18], [sflag:$0x4], $0x80, s31, s16, $0xb8;
	[tilespmem:$0x1E800] =	vst v63  }
0x68: {  	_ =	swait.ge [sflag:s21], $0x4000  }
0x69: {  	[sflag:s21] =	ssyncset.done $0x0  }
0x6a: {  	[sflag:s21] =	ssyncadd.s32 $0xFFFFC000  }
0x6b: {  	_ =	swait.ge [sflag:s22], $0x4000  }
0x6c: {  	s25 =	simm.s32 $0x800;
	s24 =	simm.s32 $0x400;
	[sflag:s22] =	ssyncset.done $0x0  }
.LBB2_4:
0x6d: {  	s26 =	sshra.s32 s24, $0x2  }
0x6e: {  	[sflag:s22] =	ssyncadd.s32 $0xFFFFC000;
	s24 =	smov.u32 s25;
	s28 =	sadd.s32 $0x400, s25  }
0x6f: {  	[tilespmem:s17], [sflag:$0x1] =	stream.indirect.gather [hbm4b:s4+s16], $0x80, s26, s16, $0xb8;
	[tilespmem:$0x1E800] =	vst v63  }
0x70: {  	p0 =	sne.s32 s25, $0x4C00;
	s25 =	sadd.s32 $0x80, s26  }
0x71: {  	[tilespmem:s18], [sflag:$0x2] =	stream.indirect.gather [hbm4b:s4+s16], $0x80, s25, s16, $0xb8;
	[tilespmem:$0x1E800] =	vst v63  }
0x72: {  	_ =	swait.ge [sflag:s19], $0x4000  }
0x73: {  	[sflag:s19] =	ssyncset.done $0x0  }
0x74: {  	s25 =	sadd.s32 $0x1400, s26;
	[sflag:s19] =	ssyncadd.s32 $0xFFFFC000  }
0x75: {  	[spmem:s2] =	stream.indirect.scatter.add.f32 [tilespmem:s17], [sflag:$0x3], $0x80, s25, s16, $0xb8;
	[tilespmem:$0x1E800] =	vst v63  }
0x76: {  	_ =	swait.ge [sflag:s20], $0x4000  }
0x77: {  	[sflag:s20] =	ssyncset.done $0x0  }
0x78: {  	s25 =	sadd.s32 $0x1480, s26;
	[sflag:s20] =	ssyncadd.s32 $0xFFFFC000  }
0x79: {  	[spmem:s2] =	stream.indirect.scatter.add.f32 [tilespmem:s18], [sflag:$0x4], $0x80, s25, s16, $0xb8;
	[tilespmem:$0x1E800] =	vst v63  }
.Ltmp1:
0x7a: {  	_ =	swait.ge [sflag:s21], $0x4000;
	(pc) =	sbr.rel @p0 .LBB2_4-.Ltmp1, $4  }
0x7b: {  	[sflag:s21] =	ssyncset.done $0x0  }
0x7c: {  	[sflag:s21] =	ssyncadd.s32 $0xFFFFC000  }
0x7d: {  	_ =	swait.ge [sflag:s22], $0x4000  }
0x7e: {  	s25 =	smov.u32 s28;
	[sflag:s22] =	ssyncset.done $0x0  }
0x7f: {  	s24 =	sshra.s32 s24, $0x2;
	[sflag:s22] =	ssyncadd.s32 $0xFFFFC000  }
0x80: {  	[tilespmem:s17], [sflag:$0x1] =	stream.indirect.gather [hbm4b:s4+s16], $0x80, s24, s16, $0xb8;
	[tilespmem:$0x1E800] =	vst v63  }
0x81: {  	s25 =	sadd.s32 $0x80, s24  }
0x82: {  	[tilespmem:s18], [sflag:$0x2] =	stream.indirect.gather [hbm4b:s4+s16], $0x80, s25, s16, $0xb8;
	[tilespmem:$0x1E800] =	vst v63  }
0x83: {  	_ =	swait.ge [sflag:s19], $0x4000  }
0x84: {  	[sflag:s19] =	ssyncset.done $0x0  }
0x85: {  	s31 =	sadd.s32 $0x1400, s24;
	[sflag:s19] =	ssyncadd.s32 $0xFFFFC000  }
0x86: {  	[spmem:s2] =	stream.indirect.scatter.add.f32 [tilespmem:s17], [sflag:$0x3], $0x80, s31, s16, $0xb8;
	[tilespmem:$0x1E800] =	vst v63  }
0x87: {  	_ =	swait.ge [sflag:s20], $0x4000  }
0x88: {  	[sflag:s20] =	ssyncset.done $0x0  }
0x89: {  	s24 =	sadd.s32 $0x1480, s24;
	[sflag:s20] =	ssyncadd.s32 $0xFFFFC000  }
0x8a: {  	[spmem:s2] =	stream.indirect.scatter.add.f32 [tilespmem:s18], [sflag:$0x4], $0x80, s24, s16, $0xb8;
	[tilespmem:$0x1E800] =	vst v63  }
0x8b: {  	_ =	swait.ge [sflag:s21], $0x4000  }
0x8c: {  	[sflag:s21] =	ssyncset.done $0x0  }
0x8d: {  	[sflag:s21] =	ssyncadd.s32 $0xFFFFC000  }
0x8e: {  	_ =	swait.ge [sflag:s22], $0x4000  }
0x8f: {  	s23 =	sadd.s32 $0x1, s23;
	[sflag:s22] =	ssyncset.done $0x0  }
0x90: {  	p0 =	sne.s32 s23, s12;
	[sflag:s22] =	ssyncadd.s32 $0xFFFFC000  }
.Ltmp2:
0x91: {  	[bflag:$0x0] =	sbarrier.arrive $0xFFFF;
	(pc) =	sbr.rel @p0 .LBB2_1-.Ltmp2, $4  }
0x92: {  	[hbm:s11], [sflag:s6] =	dma.local [spmem:s13], $0x2800  }
0x93: {  	_ =	swait.ge [sflag:s14], $0x2800  }
0x94: {  	[sflag:s14] =	ssyncset.done $0x0  }
0x95: {  	[sflag:s14] =	ssyncadd.s32 $0xFFFFD800  }
0x96: {  	_ =	sfence.sel $0x180000  }
0x97: {  	[bflag:$0x0] =	sbarrier.arrive $0xFFFF  }
0x98: {  	p0 =	sne.s32 s1, $0x0;
	_ =	strace $0x9000004D  }
0x99: {  	s0 =	sadd.s32 @!p0 $0x100000, s0;
	[bflag:$0x2] =	sbarrier.arrive $0xFFFF  }
0x9a: {  	[sflag:s0] =	ssyncadd.tile.s32 @!p0 $0x1;
	_ =	shalt  }
.Lfunc_end2:
_tile_overlayer_lowered:
.L_overlay_start_2:
0x9b: {  	(tag) =	ssettag $0x2  }
0x9c: {  	s0 =	rddreg [dreg:$0x0];
	s2 =	stileid.u32  }
0x9d: {  	s1 =	rddreg [dreg:$0x1];
	p0 =	sne.s32 s2, $0x0  }
0x9e: {  	s3 =	rddreg [dreg:$0x2];
	[bflag:$0x3] =	sbarrier.arrive $0xFFFF;
	s2 =	simm.s32 @!p0 $0x1C05  }
0x9f: {  	[timem:s3], [sflag:s2] =	dma.local @!p0 [hbm:s0], s1  }
0xa0: {  	s0 =	simm.s32 @!p0 $0x5  }
0xa1: {  	_ =	swait.ge @!p0 [sflag:s0], s1  }
0xa2: {  	s1 =	ssub.s32 @!p0 $0x0, s1;
	[sflag:s0] =	ssyncset.done @!p0 $0x0  }
0xa3: {  	[sflag:s0] =	ssyncadd.s32 @!p0 s1  }
0xa4: {  	[bflag:$0x3] =	sbarrier.arrive $0xFFFF  }
0xa5: {  	_ =	shalt  }

// kernel: _run.8.cloned.1.call-start
scs
__scs_entry_jumppad:
0x0: {  	(pc) =	sbr.rel $0x88, $3  }
0x1: {  	(tag) =	ssettag $0x0;
	lr =	simm.s32 $0x1  }
0x2: {  	[smem:$0x3F99] =	sst lr;
	_ =	strace $0xD0000000  }
0x3: {  	_ = 	snop  }
0x4: {  	_ = 	snop  }
0x5: {  	_ = 	snop  }
0x6: {  	_ = 	snop  }
0x7: {  	_ = 	snop  }
__scs_overlays_trampoline_lowered:
0x8: {  	[smem:$0x3FA8] =	sst s0  }
0x9: {  	[smem:$0x3FA9] =	sst s1  }
0xa: {  	[smem:$0x3FAA] =	sst s2  }
0xb: {  	[smem:$0x3FAB] =	sst s3  }
0xc: {  	[smem:$0x3FAC] =	sst s4  }
0xd: {  	[smem:$0x3FAD] =	sst s5  }
0xe: {  	[smem:$0x3FAE] =	sst s6  }
0xf: {  	[smem:$0x3FAF] =	sst s7  }
0x10: {  	[smem:$0x3FB0] =	sst s8  }
0x11: {  	[smem:$0x3FB1] =	sst s9;
	s0 =	simm.s32 @!p0 $0x0  }
0x12: {  	s1 =	sld [smem:$0x3F97];
	s0 =	simm.s32 @p0 $0x1  }
0x13: {  	[smem:$0x3FB2] =	sst s0;
	s0 =	simm.s32 @!p1 $0x0  }
0x14: {  	s2 =	sld [smem:$0x3F96];
	s0 =	simm.s32 @p1 $0x1  }
0x15: {  	[smem:$0x3FB3] =	sst s0;
	s0 =	simm.s32 @!p2 $0x0  }
0x16: {  	s3 =	sld [smem:$0x3FDB];
	s0 =	simm.s32 @p2 $0x1  }
0x17: {  	s4 =	simm.s32 $0x1BF5;
	[smem:$0x3FB5] =	sst s0  }
0x18: {  	s0 =	sld [smem:$0x3F98];
	_ =	swait.ge [sflag:s4], $0x0  }
0x19: {  	s7 =	sld [smem:$0x3F99]  }
0x1a: {  	s8 =	sadd.s32 $0xFFFFE003, lr  }
0x1b: {  	s9 =	sadd.s32 $0xFFFFFEF7, lr;
	s5 =	simm.s32 $0xFFFFFFFF;
	p2 =	slt.u32 s8, $0xFFFFF086  }
0x1c: {  	p1 =	slt.u32 s9, $0xF7A;
	s5 =	simm.s32 @!p2 $0x0  }
0x1d: {  	s5 =	simm.s32 @p1 $0x1;
	p0 =	seq.s32 s7, s2  }
0x1e: {  	s7 =	smul.u32 @!p0 $0xF7A, s2;
	p2 =	seq.s32 @!p0 s5, $0x0  }
0x1f: {  	s9 =	smul.u32 $0xF7A, s1;
	s8 =	simm.s32 @!p0 $0x1BF5;
	p2 =	por !p2, p0  }
0x20: {  	[sflag:s8] =	ssyncset.s32 @!p0 $0xFFFFF086;
	s6 =	sadd.s32 @!p0 s3, s7;
	s7 =	simm.s32 @!p0 $0x108  }
0x21: {  	s3 =	sadd.s32 s3, s9;
	s6 =	sadd.s32 @!p0 $0x88, s6;
	s7 =	simm.s32 @p2 $0x1082  }
0x22: {  	[simem:s7], [sflag:s8] =	dma.local @!p0 [hbm:s6], $0xF7A  }
0x23: {  	s9 =	sor.u32 $0xD0000000, s2;
	s6 =	simm.s32 $0x108;
	_ =	swait.ge @!p0 [sflag:s8], $0x0  }
0x24: {  	s3 =	sadd.s32 $0x88, s3;
	s6 =	simm.s32 @!p1 $0x1082;
	[sflag:s4] =	ssyncset.s32 $0xFFFFF086  }
0x25: {  	[simem:s6], [sflag:s4] =	dma.local [hbm:s3], $0xF7A  }
0x26: {  	[smem:$0x3F99] =	sst s1;
	(tag) =	ssettag s2;
	_ =	strace s9  }
0x27: {  	s1 =	sld [smem:$0x3FA9]  }
0x28: {  	s2 =	sld [smem:$0x3FAA]  }
0x29: {  	s4 =	sld [smem:$0x3FAC]  }
0x2a: {  	p0 =	seq.s32 s5, $0x0;
	s5 =	sld [smem:$0x3FAD]  }
0x2b: {  	s6 =	sld [smem:$0x3FAE]  }
0x2c: {  	s7 =	sld [smem:$0x3FAF]  }
0x2d: {  	s3 =	simm.s32 $0x108;
	s8 =	sld [smem:$0x3FB0]  }
0x2e: {  	s3 =	simm.s32 @!p0 $0x1082;
	s9 =	sld [smem:$0x3FB1]  }
0x2f: {  	lr =	sadd.s32 s0, s3;
	s0 =	sld [smem:$0x3FA8]  }
0x30: {  	s3 =	sld [smem:$0x3FAB]  }
0x31: {  	[smem:$0x3FB4] =	sst s10  }
0x32: {  	s10 =	sld [smem:$0x3FB2];
	_ =	sdelay $0x3  }
0x33: {  	p0 =	seq.s32 s10, $0x1;
	s10 =	sld [smem:$0x3FB4];
	_ =	sdelay $0x3  }
0x34: {  	[smem:$0x3FB4] =	sst s10  }
0x35: {  	s10 =	sld [smem:$0x3FB3];
	_ =	sdelay $0x3  }
0x36: {  	p1 =	seq.s32 s10, $0x1;
	s10 =	sld [smem:$0x3FB4];
	_ =	sdelay $0x3  }
0x37: {  	[smem:$0x3FB4] =	sst s10  }
0x38: {  	s10 =	sld [smem:$0x3FB5]  }
0x39: {  	_ = 	snop;
	(pc) =	sbr.ind lr, $3  }
0x3a: {  	_ = 	snop  }
0x3b: {  	_ = 	snop  }
0x3c: {  	p2 =	seq.s32 s10, $0x1;
	s10 =	sld [smem:$0x3FB4]  }
0x3d: {  	_ =	shalt  }
0x3e: {  	_ =	shalt  }
0x3f: {  	_ =	shalt  }
0x40: {  	_ =	shalt  }
0x41: {  	_ =	shalt  }
0x42: {  	_ =	shalt  }
0x43: {  	_ =	shalt  }
0x44: {  	_ =	shalt  }
0x45: {  	_ =	shalt  }
0x46: {  	_ =	shalt  }
0x47: {  	_ =	shalt  }
0x48: {  	_ =	shalt  }
0x49: {  	_ =	shalt  }
0x4a: {  	_ =	shalt  }
0x4b: {  	_ =	shalt  }
0x4c: {  	_ =	shalt  }
0x4d: {  	_ =	shalt  }
0x4e: {  	_ =	shalt  }
0x4f: {  	_ =	shalt  }
0x50: {  	_ =	shalt  }
0x51: {  	_ =	shalt  }
0x52: {  	_ =	shalt  }
0x53: {  	_ =	shalt  }
0x54: {  	_ =	shalt  }
0x55: {  	_ =	shalt  }
0x56: {  	_ =	shalt  }
0x57: {  	_ =	shalt  }
0x58: {  	_ =	shalt  }
0x59: {  	_ =	shalt  }
0x5a: {  	_ =	shalt  }
0x5b: {  	_ =	shalt  }
0x5c: {  	_ =	shalt  }
0x5d: {  	_ =	shalt  }
0x5e: {  	_ =	shalt  }
0x5f: {  	_ =	shalt  }
0x60: {  	_ =	shalt  }
0x61: {  	_ =	shalt  }
0x62: {  	_ =	shalt  }
0x63: {  	_ =	shalt  }
0x64: {  	_ =	shalt  }
0x65: {  	_ =	shalt  }
0x66: {  	_ =	shalt  }
0x67: {  	_ =	shalt  }
0x68: {  	_ =	shalt  }
0x69: {  	_ =	shalt  }
0x6a: {  	_ =	shalt  }
0x6b: {  	_ =	shalt  }
0x6c: {  	_ =	shalt  }
0x6d: {  	_ =	shalt  }
0x6e: {  	_ =	shalt  }
0x6f: {  	_ =	shalt  }
0x70: {  	_ =	shalt  }
0x71: {  	_ =	shalt  }
0x72: {  	_ =	shalt  }
0x73: {  	_ =	shalt  }
0x74: {  	_ =	shalt  }
0x75: {  	_ =	shalt  }
0x76: {  	_ =	shalt  }
0x77: {  	_ =	shalt  }
0x78: {  	_ =	shalt  }
0x79: {  	_ =	shalt  }
0x7a: {  	_ =	shalt  }
0x7b: {  	_ =	shalt  }
0x7c: {  	_ =	shalt  }
0x7d: {  	_ =	shalt  }
0x7e: {  	_ =	shalt  }
0x7f: {  	_ =	shalt  }
0x80: {  	_ =	shalt  }
0x81: {  	_ =	shalt  }
0x82: {  	_ =	shalt  }
0x83: {  	_ =	shalt  }
0x84: {  	_ =	shalt  }
0x85: {  	_ =	shalt  }
0x86: {  	_ =	shalt  }
0x87: {  	_ =	shalt  }
.Lfunc_end0:
.L_simem_size_0:
called_computation_lowered:
.L_overlay_start_0:
0x88: {  	s2 =	sld [smem:$0x3FD9]  }
0x89: {  	s3 =	sld [smem:$0x3FFE];
	_ =	sdelay $0x1  }
0x8a: {  	s1 =	srdreg.scid  }
0x8b: {  	s0 =	sand.u32 $0x1, s1  }
0x8c: {  	s16 =	sshll.u32 s0, $0xA;
	s2 =	sadd.s32 s3, s2  }
0x8d: {  	s2 =	sadd.s32 s2, s16  }
0x8e: {  	[smem:$0x3FC0] =	sst s2  }
0x8f: {  	_ = 	snop  }
0x90: {  	(tm) =	ssettm $0x1  }
0x91: {  	s17 =	sld [smem:$0x3FFB];
	_ =	sdelay $0x3  }
0x92: {  	_ =	strace s17  }
0x93: {  	s2 =	sld [smem:$0x3FFC];
	_ =	sdelay $0x3  }
0x94: {  	_ =	strace s2  }
0x95: {  	s2 =	sld [smem:$0x3FFD];
	_ =	sdelay $0x3  }
0x96: {  	_ =	strace s2  }
0x97: {  	_ =	strace $0x8FFFFFFF  }
0x98: {  	s18 =	sld [smem:$0x3FDB];
	_ =	sdelay $0x1  }
0x99: {  	s19 =	simm.s32 $_scs_section_size  }
0x9a: {  	s4 =	simm.s32 $_size__tile_overlayer_lowered;
	s5 =	simm.s32 $_tile_overlayer_lowered  }
0x9b: {  	s22 =	simm.s32 $0x1BFF;
	s21 =	sshll.u32 s5, $0x1;
	s2 =	sadd.s32 s19, s18  }
0x9c: {  	s6 =	simm.s32 $0x0;
	s20 =	sshll.u32 s4, $0x1;
	s4 =	sadd.s32 s21, s2  }
0x9d: {  	[timem:s6], [sflag:s22] =	dma.local [hbm:s4], s20  }
0x9e: {  	_ =	swait.ge [sflag:s22], s20  }
0x9f: {  	s3 =	ssub.s32 $0x0, s20;
	[sflag:s22] =	ssyncset.done $0x0  }
0xa0: {  	[sflag:s22] =	ssyncadd.s32 s3;
	_ =	sdelay $0x1  }
0xa1: {  	s23 =	simm.s32 $0x1B8B  }
0xa2: {  	_ =	swait.ge [sflag:s23], $0x1  }
0xa3: {  	[sflag:s23] =	ssyncset.done $0x0  }
0xa4: {  	s25 =	simm.s32 $0x1B8E;
	s24 =	sld [smem:$0x3FFE];
	[sflag:s23] =	ssyncadd.s32 $0xFFFFFFFF  }
0xa5: {  	s26 =	simm.s32 $execute0_lowered;
	[smem:$0x3FD2] =	sst s25  }
0xa6: {  	s4 =	sshll.u32 s26, $0x1;
	_ =	strace $0x80000046;
	[dreg:$0x1] =	wrdreg $0xFFFFFFFF  }
0xa7: {  	s28 =	simm.s32 $_size_execute0_lowered;
	s2 =	sadd.s32 s2, s4;
	[dreg:$0x0] =	wrdreg $0x0  }
0xa8: {  	s4 =	sshll.u32 s28, $0x1;
	[dreg:$0x2] =	wrdreg s2  }
0xa9: {  	[dreg:$0x3] =	wrdreg s4  }
0xaa: {  	[dreg:$0x4] =	wrdreg $0xC0  }
0xab: {  	_ =	task [dreg:s6], $0x5FFFF  }
0xac: {  	[dreg:$0x1] =	wrdreg $0xFFFFFFFF  }
0xad: {  	[dreg:$0x0] =	wrdreg $0x60  }
0xae: {  	[dreg:$0x2] =	wrdreg s24  }
0xaf: {  	[dreg:$0x3] =	wrdreg $0x68000  }
0xb0: {  	[dreg:$0x4] =	wrdreg $0x9  }
0xb1: {  	_ =	task.clear_ibuf [dreg:s6], $0x5FFFF;
	_ =	strace $0x90000046  }
0xb2: {  	s29 =	simm.s32 $0x9;
	_ =	strace $0x80000048  }
0xb3: {  	_ =	swait.ge [sflag:s29], $0x1  }
0xb4: {  	[sflag:s29] =	ssyncadd.s32 $0xFFFFFFFF  }
0xb5: {  	_ =	strace $0x90000048  }
0xb6: {  	_ =	sfence  }
0xb7: {  	s30 =	sld [smem:$0x0];
	_ =	sdelay $0x2  }
0xb8: {  	s31 =	sshll.u32 s1, $0xD;
	s1 =	sshrl.u32 s1, $0x2  }
0xb9: {  	s3 =	sand.u32 $0x4000, s31;
	s1 =	sadd.s32 s1, s30  }
0xba: {  	s0 =	sor.u32 s3, s0;
	s1 =	sshll.u32 s1, $0x11  }
0xbb: {  	s0 =	sor.u32 s1, s0  }
0xbc: {  	s0 =	sadd.s32 $0x8F2B, s0  }
0xbd: {  	[sflag:s0] =	ssyncadd.remote.s32 $0x1  }
0xbe: {  	_ =	sfence.sel $0xFFFF  }
0xbf: {  	[dreg:$0x0] =	wrdreg $0xFFFFFFFF;
	(pc) =	sbr.abs _section_cstart, $3  }
0xc0: {  	[dreg:$0x1] =	wrdreg $0xFFFFFFFF  }
0xc1: {  	_ =	task.clear_ibuf [dreg:s6], $0x2FFFF;
	_ =	strace $0x9FFFFFFF  }
0xc2: {  	(tm) =	ssettm $0x7FFFFFFF  }
0xc3: {  	_ =	shalt  }
tec
execute0_lowered:
.L_overlay_start_1:
0x0: {  	(tag) =	ssettag $0x1  }
0x1: {  	s0 =	srdreg.scid;
	s6 =	rddreg [dreg:$0x0]  }
0x2: {  	s2 =	rddreg [dreg:$0x1];
	s5 =	sand.u32 $0x1, s0;
	s0 =	stileid.u32  }
0x3: {  	s3 =	simm.s32 $0x0;
	s13 =	simm.s32 $0x80;
	s7 =	smul.u32 $0x14000, s0  }
0x4: {  	s14 =	simm.s32 $0x0;
	[smem:$0x7FF] =	sst s3;
	s8 =	smul.u32 $0x140000, s5  }
0x5: {  	s1 =	sshll.u32 s5, $0x4;
	s5 =	ssub.s32 $0x2, s5;
	s29 =	smul.u32 $0x50000, s0  }
0x6: {  	s31 =	sshll.u32 s0, $0x6;
	s4 =	sor.u32 s0, s1;
	s1 =	rddreg [dreg:$0x2]  }
0x7: {  	_ =	strace $0x80000047;
	s11 =	sshrl.u32 s5, $0x1;
	s4 =	smul.u32 $0x500, s4  }
0x8: {  	s10 =	sshrl.u32 s7, $0x3;
	s7 =	sadd.s32 s7, s8;
	s11 =	ssub.s32 s5, s11  }
0x9: {  	s30 =	sshrl.u32 s29, $0x2;
	s10 =	sadd.s32 s10, s6;
	s7 =	sshrl.u32 s7, $0x3  }
0xa: {  	s12 =	sadd.s32 s30, s2;
	s8 =	smax.u32 s11, $0x1;
	s11 =	sor.u32 $0x1C01, s31  }
0xb: {  	s9 =	sadd.s32 s4, s6;
	s4 =	sadd.s32 $0xC600, s6;
	s7 =	sadd.s32 s7, s6  }
0xc: {  	s6 =	sadd.s32 $0xCE00, s10;
	s10 =	simm.s32 $0x2800;
	s12 =	sshrl.u32 s12, $0x3  }
0xd: {  	s5 =	sadd.s32 $0x2600, s9;
	s7 =	sadd.s32 $0x34E00, s7;
	s9 =	simm.s32 $0x1  }
.LBB2_1:
0xe: {  	[tilespmem:s3], [sflag:$0x1] =	stream.linear.gather [hbm4b:s5+s3], $0x2800, $0x38;
	[tilespmem:$0x9000] =	vst v63  }
0xf: {  	_ =	swait.ge [sflag:s9], $0x2800  }
0x10: {  	[sflag:s9] =	ssyncset.done $0x0  }
0x11: {  	[sflag:s9] =	ssyncadd.s32 $0xFFFFD800  }
0x12: {  	[tilespmem:s10], [sflag:$0x1] =	stream.linear.gather [hbm4b:s4+s3], $0x4000, $0x38;
	[tilespmem:$0x9000] =	vst v63  }
0x13: {  	_ =	swait.ge [sflag:s9], $0x4000  }
0x14: {  	[sflag:s9] =	ssyncset.done $0x0  }
0x15: {  	[sflag:s9] =	ssyncadd.s32 $0xFFFFC000  }
0x16: {  	[spmem:s12], [sflag:s11] =	dma.local [hbm:s6], $0x2800  }
0x17: {  	_ =	swait.ge [sflag:s9], $0x2800  }
0x18: {  	[sflag:s9] =	ssyncset.done $0x0  }
0x19: {  	[sflag:s9] =	ssyncadd.s32 $0xFFFFD800  }
0x1a: {  	s15 =	simm.s32 $0x0;
	[bflag:$0x0] =	sbarrier.arrive $0xFFFF  }
0x1b: {  	[spmem:s2] =	stream.indirect.scatter.add.f32 [tilespmem:s10], [sflag:$0x1], $0x10, s15, s13, $0xb8;
	[tilespmem:$0x9000] =	vst v63  }
0x1c: {  	_ =	swait.ge [sflag:s9], $0x800  }
0x1d: {  	s15 =	simm.s32 $0x200;
	[sflag:s9] =	ssyncset.done $0x0  }
.LBB2_2:
0x1e: {  	s16 =	sshra.s32 s15, $0x2;
	[sflag:s9] =	ssyncadd.s32 $0xFFFFF800;
	p0 =	sne.s32 s15, $0x9E00  }
0x1f: {  	[spmem:s2] =	stream.indirect.scatter.add.f32 [tilespmem:s10], [sflag:$0x1], $0x10, s16, s13, $0xb8;
	[tilespmem:$0x9000] =	vst v63  }
.Ltmp0:
0x20: {  	_ = 	snop;
	(pc) =	sbr.rel @p0 .LBB2_2-.Ltmp0, $4  }
0x21: {  	_ = 	snop  }
0x22: {  	s15 =	sadd.s32 $0x200, s15  }
0x23: {  	_ =	swait.ge [sflag:s9], $0x800  }
0x24: {  	[sflag:s9] =	ssyncset.done $0x0  }
0x25: {  	s14 =	sadd.s32 $0x1, s14  }
0x26: {  	[sflag:s9] =	ssyncadd.s32 $0xFFFFF800;
	p0 =	sne.s32 s14, s8  }
.Ltmp1:
0x27: {  	[bflag:$0x0] =	sbarrier.arrive $0xFFFF;
	(pc) =	sbr.rel @p0 .LBB2_1-.Ltmp1, $4  }
0x28: {  	[hbm:s7], [sflag:s11] =	dma.local [spmem:s12], $0x2800  }
0x29: {  	_ =	swait.ge [sflag:s9], $0x2800  }
0x2a: {  	[sflag:s9] =	ssyncset.done $0x0  }
0x2b: {  	[sflag:s9] =	ssyncadd.s32 $0xFFFFD800  }
0x2c: {  	_ =	sfence.sel $0x180000  }
0x2d: {  	[bflag:$0x0] =	sbarrier.arrive $0xFFFF  }
0x2e: {  	p0 =	sne.s32 s0, $0x0;
	_ =	strace $0x90000047  }
0x2f: {  	s0 =	sadd.s32 @!p0 $0x100000, s1;
	[bflag:$0x2] =	sbarrier.arrive $0xFFFF  }
0x30: {  	[sflag:s0] =	ssyncadd.tile.s32 @!p0 $0x1;
	_ =	shalt  }
.Lfunc_end2:
_tile_overlayer_lowered:
.L_overlay_start_2:
0x31: {  	(tag) =	ssettag $0x2  }
0x32: {  	s0 =	rddreg [dreg:$0x0];
	s2 =	stileid.u32  }
0x33: {  	s1 =	rddreg [dreg:$0x1];
	p0 =	sne.s32 s2, $0x0  }
0x34: {  	s3 =	rddreg [dreg:$0x2];
	[bflag:$0x3] =	sbarrier.arrive $0xFFFF;
	s2 =	simm.s32 @!p0 $0x1C01  }
0x35: {  	[timem:s3], [sflag:s2] =	dma.local @!p0 [hbm:s0], s1  }
0x36: {  	s0 =	simm.s32 @!p0 $0x1  }
0x37: {  	_ =	swait.ge @!p0 [sflag:s0], s1  }
0x38: {  	s1 =	ssub.s32 @!p0 $0x0, s1;
	[sflag:s0] =	ssyncset.done @!p0 $0x0  }
0x39: {  	[sflag:s0] =	ssyncadd.s32 @!p0 s1  }
0x3a: {  	[bflag:$0x3] =	sbarrier.arrive $0xFFFF  }
0x3b: {  	_ =	shalt  }

</sc_bundles>
